<compile_context>
chip_gen: v7x
topology: tpu7x:2x2x1
jax: 0.10.2.dev20260603
libtpu: 0.0.44.dev20260713+nightly
codegen_flags: <defaults>
</compile_context>

<pallas_src>
import functools

import jax
import jax.numpy as jnp
from jax import lax
from jax.experimental import pallas as pl
from jax.experimental.pallas import tpu as pltpu
from jax.experimental.pallas import tpu_sc as plsc

N = 10000
NP = 10240
E = 320000
D = 128
NQ = 8

NC = 2
NS = 16
NW = NC * NS
K = 120
NCH = 84
EPT = NCH * K
EP = NW * EPT
NIDX = 6
NROW = 3
UNROLL = 6
ROWS_PT = NP // NS

_MESH = dict(core_axis_name="c", subcore_axis_name="s",
             num_cores=NC, num_subcores=NS)



def _deg_body(dste_hbm, ones_hbm, zdeg_hbm, out_hbm, acc, dstb, ones_v):
    c = lax.axis_index("c")
    s = lax.axis_index("s")

    @pl.when(s == 0)
    def _():
        pltpu.sync_copy(zdeg_hbm, acc)

    wid = c * NS + s
    pltpu.sync_copy(dste_hbm.at[wid], dstb)
    pltpu.sync_copy(ones_hbm, ones_v)
    plsc.subcore_barrier()

    def body(j, carry):
        pltpu.sync_copy(ones_v, acc.at[dstb.at[j]], add=True)
        return carry

    lax.fori_loop(0, NCH, body, 0)
    plsc.subcore_barrier()

    @pl.when(s == 0)
    def _():
        pltpu.sync_copy(acc, out_hbm.at[pl.ds(c * NP, NP)])


def _spmm_body(y_hbm, srce_hbm, dste_hbm, z2d_hbm, out_hbm,
               acc, src_bufs, dst_bufs, isems, rows_bufs, gsems, ssems):
    c = lax.axis_index("c")
    s = lax.axis_index("s")
    wid = c * NS + s

    pltpu.sync_copy(z2d_hbm, acc.at[pl.ds(s * ROWS_PT, ROWS_PT)])
    plsc.subcore_barrier()

    ebase = wid * EPT
    idx_sets = tuple(zip(src_bufs, dst_bufs, isems))

    def fire_idx(ch, srcv, dstv, isem):
        pltpu.async_copy(srce_hbm.at[pl.ds(ebase + ch * K, K)], srcv, isem)
        pltpu.async_copy(dste_hbm.at[pl.ds(ebase + ch * K, K)], dstv, isem)

    def wait_idx(srcv, dstv, isem):
        pltpu.make_async_copy(srce_hbm.at[pl.ds(ebase, K)], srcv, isem).wait()
        pltpu.make_async_copy(dste_hbm.at[pl.ds(ebase, K)], dstv, isem).wait()

    def wait_scatter(b):
        pltpu.make_async_copy(rows_bufs[b], acc.at[idx_sets[0][1]],
                              ssems[b]).wait()

    fire_idx(0, *idx_sets[0])
    fire_idx(1, *idx_sets[1])
    wait_idx(*idx_sets[0])
    pltpu.async_copy(y_hbm.at[idx_sets[0][0]], rows_bufs[0], gsems[0])

    def body(i, carry):
        for j in range(UNROLL):
            ch = i * UNROLL + j
            b = j % NROW
            srcv, dstv, isem = idx_sets[j % NIDX]

            @pl.when(ch >= 2)
            def _():
                wait_scatter((j + 1) % NROW)

            @pl.when(ch + 1 < NCH)
            def _():
                wait_idx(*idx_sets[(j + 1) % NIDX])
                pltpu.async_copy(y_hbm.at[idx_sets[(j + 1) % NIDX][0]],
                                 rows_bufs[(j + 1) % NROW],
                                 gsems[(j + 1) % NROW])

            pltpu.make_async_copy(y_hbm.at[srcv], rows_bufs[b], gsems[b]).wait()
            pltpu.async_copy(rows_bufs[b], acc.at[dstv], ssems[b], add=True)

            @pl.when(ch + 2 < NCH)
            def _():
                fire_idx(ch + 2, *idx_sets[(j + 2) % NIDX])
        return carry

    lax.fori_loop(0, NCH // UNROLL, body, 0)
    wait_scatter((NCH - 2) % NROW)
    wait_scatter((NCH - 1) % NROW)
    plsc.subcore_barrier()

    pltpu.sync_copy(acc.at[pl.ds(s * ROWS_PT, ROWS_PT)],
                    out_hbm.at[c, pl.ds(s * ROWS_PT, ROWS_PT)])


@functools.cache
def _get_deg_kernel():
    return pl.kernel(
        _deg_body,
        out_type=jax.ShapeDtypeStruct((NC * NP,), jnp.float32),
        mesh=plsc.VectorSubcoreMesh(**_MESH),
        scratch_types=[
            pltpu.VMEM_SHARED((NP,), jnp.float32),
            pltpu.VMEM((NCH, K), jnp.int32),
            pltpu.VMEM((K,), jnp.float32),
        ],
    )


@functools.cache
def _get_spmm_kernel():
    return pl.kernel(
        _spmm_body,
        out_type=jax.ShapeDtypeStruct((NC, NP, D), jnp.float32),
        mesh=plsc.VectorSubcoreMesh(**_MESH),
        scratch_types=[
            pltpu.VMEM_SHARED((NP, D), jnp.float32),
            [pltpu.VMEM((K,), jnp.int32)] * NIDX,
            [pltpu.VMEM((K,), jnp.int32)] * NIDX,
            [pltpu.SemaphoreType.DMA] * NIDX,
            [pltpu.VMEM((K, D), jnp.float32)] * NROW,
            [pltpu.SemaphoreType.DMA] * NROW,
            [pltpu.SemaphoreType.DMA] * NROW,
        ],
    )



R = 1024


def _dinv(d0, d1):
    return lax.rsqrt(d0 + d1 + 1.0)


def _prep1_body(d0_ref, d1_ref, x_ref, w_ref, o_ref):
    dinv = _dinv(d0_ref[...], d1_ref[...])
    o_ref[...] = dinv * jnp.dot(x_ref[...], w_ref[...],
                                preferred_element_type=jnp.float32)


def _mid_body(d0_ref, d1_ref, a0_ref, a1_ref, y1_ref, b1_ref, w2_ref,
              q_ref, wm_ref, bm_ref, o_ref, ques_ref):
    dinv = _dinv(d0_ref[...], d1_ref[...])
    h1 = dinv * (a0_ref[...] + a1_ref[...] + y1_ref[...]) + b1_ref[...]
    h1 = jnp.maximum(h1, 0.0)
    o_ref[...] = dinv * jnp.dot(h1, w2_ref[...],
                                preferred_element_type=jnp.float32)

    @pl.when(pl.program_id(0) == 0)
    def _():
        ques_ref[...] = jnp.maximum(
            jnp.dot(q_ref[...], wm_ref[...],
                    preferred_element_type=jnp.float32) + bm_ref[...], 0.0)


def _final_body(d0_ref, d1_ref, a0_ref, a1_ref, y2_ref, b2_ref, o_ref):
    dinv = _dinv(d0_ref[...], d1_ref[...])
    o_ref[...] = dinv * (a0_ref[...] + a1_ref[...] + y2_ref[...]) + b2_ref[...]


def _col_spec():
    return pl.BlockSpec((R, 1), lambda i: (i, 0))


def _row_spec():
    return pl.BlockSpec((R, D), lambda i: (i, 0))


def _full_spec(shape):
    return pl.BlockSpec(shape, lambda i: (0,) * len(shape))


_prep1 = pl.pallas_call(
    _prep1_body,
    grid=(NP // R,),
    in_specs=[_col_spec(), _col_spec(), _row_spec(), _full_spec((D, D))],
    out_specs=_row_spec(),
    out_shape=jax.ShapeDtypeStruct((NP, D), jnp.float32),
)

_mid = pl.pallas_call(
    _mid_body,
    grid=(NP // R,),
    in_specs=[_col_spec(), _col_spec(), _row_spec(), _row_spec(), _row_spec(),
              _full_spec((1, D)), _full_spec((D, D)),
              _full_spec((NQ, D)), _full_spec((D, D)), _full_spec((1, D))],
    out_specs=[_row_spec(), _full_spec((NQ, D))],
    out_shape=[jax.ShapeDtypeStruct((NP, D), jnp.float32),
               jax.ShapeDtypeStruct((NQ, D), jnp.float32)],
)

_final = pl.pallas_call(
    _final_body,
    grid=(NP // R,),
    in_specs=[_col_spec(), _col_spec(), _row_spec(), _row_spec(), _row_spec(),
              _full_spec((1, D))],
    out_specs=_row_spec(),
    out_shape=jax.ShapeDtypeStruct((NP, D), jnp.float32),
)


def kernel(x, edge_index, W1, b1, W2, b2, q_emb, Wm, bm):
    pad = N + (jnp.arange(EP - E, dtype=jnp.int32) % (NP - N))
    srcf = jnp.concatenate([edge_index[0], pad])
    dstf = jnp.concatenate([edge_index[1], pad])
    dstp = dstf.reshape(NW, NCH, K)
    xp = jnp.pad(x, ((0, NP - N), (0, 0)))

    zdeg = jnp.zeros((NP,), jnp.float32)
    z2d = jnp.zeros((ROWS_PT, D), jnp.float32)
    ones_k = jnp.ones((K,), jnp.float32)

    degp = _get_deg_kernel()(dstp, ones_k, zdeg)
    d0 = degp[:NP].reshape(NP, 1)
    d1 = degp[NP:].reshape(NP, 1)

    y1 = _prep1(d0, d1, xp, W1)
    acc1 = _get_spmm_kernel()(y1, srcf, dstf, z2d)
    y2, ques = _mid(d0, d1, acc1[0], acc1[1], y1, b1.reshape(1, D), W2,
                    q_emb, Wm, bm.reshape(1, D))
    acc2 = _get_spmm_kernel()(y2, srcf, dstf, z2d)
    h2 = _final(d0, d1, acc2[0], acc2[1], y2, b2.reshape(1, D))
    return (ques, h2[:N])

# --- scband reference (transcript-rebuilt; emitter-appended) ---
"""Pipeline reference for scband-profit-16776142258476 (READ-ONLY COPY).

The authoritative reference and input builder live on the scoring server;
editing this copy changes nothing except your own understanding.
"""

import jax, jax.numpy as jnp
import numpy as np

N = 10000
E = 320000
D_IN = 128
D_OUT = 128
NQ = 8


def gcn_conv(x, edge_index, W, b):
    n = x.shape[0]
    src = edge_index[0]
    dst = edge_index[1]
    loop = jnp.arange(n, dtype=edge_index.dtype)
    src = jnp.concatenate([src, loop])
    dst = jnp.concatenate([dst, loop])
    deg = jnp.zeros((n,), x.dtype).at[dst].add(1.0)
    dinv = jnp.where(deg > 0, 1.0 / jnp.sqrt(deg), 0.0)
    norm = dinv[src] * dinv[dst]
    xw = x @ W
    msg = xw[src] * norm[:, None]
    out = jnp.zeros((n, xw.shape[1]), x.dtype).at[dst].add(msg)
    return out + b


def setup_inputs(seed: int = 0):
    key = jax.random.key(seed)
    ks = jax.random.split(key, 9)
    x = jax.random.normal(ks[0], (N, D_IN), dtype=jnp.float32)
    edge_index = jax.random.randint(ks[1], (2, E), 0, N, dtype=jnp.int32)
    W1 = jax.random.normal(ks[2], (D_IN, D_OUT), dtype=jnp.float32) / np.sqrt(D_IN)
    b1 = jnp.zeros((D_OUT,), jnp.float32)
    W2 = jax.random.normal(ks[3], (D_OUT, D_OUT), dtype=jnp.float32) / np.sqrt(D_OUT)
    b2 = jnp.zeros((D_OUT,), jnp.float32)
    q_emb = jax.random.normal(ks[4], (NQ, D_IN), dtype=jnp.float32)
    Wm = jax.random.normal(ks[5], (D_IN, D_OUT), dtype=jnp.float32) / np.sqrt(D_IN)
    bm = jnp.zeros((D_OUT,), jnp.float32)
    return {"x": x, "edge_index": edge_index, "W1": W1, "b1": b1, "W2": W2, "b2": b2, "q_emb": q_emb, "Wm": Wm, "bm": bm}


def reference(x, edge_index, W1, b1, W2, b2, q_emb, Wm, bm):
    # GCN branch (dropout is inert: tag_drop_rate=0.0 / eval mode)
    h1 = jax.nn.relu(gcn_conv(x, edge_index, W1, b1))
    h2 = gcn_conv(h1, edge_index, W2, b2)
    # Question branch: the forward only applies self.mlp (the Conv1d modules are
    # constructed but never invoked; the inner loop overwrites next_activ and the
    # last mlp result wins), then ReLU.
    ques = jax.nn.relu(q_emb @ Wm + bm)
    return (ques, h2)

if __name__ == "__main__":
    import jax
    _d = setup_inputs()
    print(jax.jit(kernel)(*tuple(_d.values())))

</pallas_src>

<mosaic_0001>
#map = affine_map<(d0, d1) -> (0, 0, 0)>
#map1 = affine_map<(d0, d1) -> (0)>
module attributes {stable_mosaic.version = 14 : i64} {
  func.func @_deg_body(%arg0: i32, %arg1: i32, %arg2: memref<32x84x120xi32, #tpu.memory_space<hbm>>, %arg3: memref<120xf32, #tpu.memory_space<hbm>>, %arg4: memref<10240xf32, #tpu.memory_space<hbm>>, %arg5: memref<20480xf32, #tpu.memory_space<hbm>>, %arg6: memref<10240xf32, #tpu.memory_space<vmem_shared>>, %arg7: memref<84x120xi32, #tpu.memory_space<vmem>>, %arg8: memref<120xf32, #tpu.memory_space<vmem>>) attributes {dimension_semantics = [#tpu.dimension_semantics<core_parallel>, #tpu.dimension_semantics<subcore_parallel>], iteration_bounds = array<i64: 2, 16>, scalar_prefetch = 0 : i64, scratch_operands = 3 : i64, tpu.core_type = #tpu.core_type<sc_vector_subcore>, window_params = [{transform_indices = #map}, {transform_indices = #map1}, {transform_indices = #map1}, {transform_indices = #map1}]} {
    %eq3A = arith.constant 0 : i32
    %eq3A_0 = arith.cmpi eq, %arg1, %eq3A : i32
    %convert_element_type3A = arith.extui %eq3A_0 : i1 to i32
    %cond3A = arith.constant 0 : i32
    %cond3A_1 = arith.cmpi ne, %convert_element_type3A, %cond3A : i32
    scf.if %cond3A_1 {
      "tpu.region"() ({
        %run_scoped3A = tpu.sem_alloc : memref<!tpu.dma_semaphore, #tpu.memory_space<semaphore_mem>>
        tpu.enqueue_dma source(%arg4 : memref<10240xf32, #tpu.memory_space<hbm>>) target(%arg6 : memref<10240xf32, #tpu.memory_space<vmem_shared>>) target_semaphore(%run_scoped3A : memref<!tpu.dma_semaphore, #tpu.memory_space<semaphore_mem>>)
        tpu.wait_dma2 semaphore(%run_scoped3A : memref<!tpu.dma_semaphore, #tpu.memory_space<semaphore_mem>>) src(%arg4 : memref<10240xf32, #tpu.memory_space<hbm>>) dst(%arg6 : memref<10240xf32, #tpu.memory_space<vmem_shared>>)
        tpu.yield
      }) : () -> ()
    } else {
    }
    %mul3A = arith.constant 16 : i32
    %mul3A_2 = arith.muli %arg0, %mul3A : i32
    %add3A = arith.addi %mul3A_2, %arg1 : i32
    "tpu.region"() ({
      %run_scoped3A = tpu.sem_alloc : memref<!tpu.dma_semaphore, #tpu.memory_space<semaphore_mem>>
      %dma_start3A = arith.constant 0 : i32
      %dma_start3A_14 = arith.constant 0 : i32
      %dma_start3A_15 = tpu.memref_slice %arg2[%add3A, %dma_start3A, %dma_start3A_14] : memref<32x84x120xi32, #tpu.memory_space<hbm>> -> memref<1x84x120xi32, #tpu.memory_space<hbm>>
      %dma_start3A_16 = tpu.memref_squeeze %dma_start3A_15 : memref<1x84x120xi32, #tpu.memory_space<hbm>> -> memref<84x120xi32, #tpu.memory_space<hbm>>
      %dma_start3A_17 = arith.constant 0 : i32
      %dma_start3A_18 = arith.constant 0 : i32
      %dma_start3A_19 = tpu.memref_slice %arg2[%add3A, %dma_start3A_17, %dma_start3A_18] : memref<32x84x120xi32, #tpu.memory_space<hbm>> -> memref<1x84x120xi32, #tpu.memory_space<hbm>>
      %dma_start3A_20 = tpu.memref_squeeze %dma_start3A_19 : memref<1x84x120xi32, #tpu.memory_space<hbm>> -> memref<84x120xi32, #tpu.memory_space<hbm>>
      tpu.enqueue_dma source(%dma_start3A_20 : memref<84x120xi32, #tpu.memory_space<hbm>>) target(%arg7 : memref<84x120xi32, #tpu.memory_space<vmem>>) target_semaphore(%run_scoped3A : memref<!tpu.dma_semaphore, #tpu.memory_space<semaphore_mem>>)
      %dma_wait3A = arith.constant 0 : i32
      %dma_wait3A_21 = arith.constant 0 : i32
      %dma_wait3A_22 = tpu.memref_slice %arg2[%add3A, %dma_wait3A, %dma_wait3A_21] : memref<32x84x120xi32, #tpu.memory_space<hbm>> -> memref<1x84x120xi32, #tpu.memory_space<hbm>>
      %dma_wait3A_23 = tpu.memref_squeeze %dma_wait3A_22 : memref<1x84x120xi32, #tpu.memory_space<hbm>> -> memref<84x120xi32, #tpu.memory_space<hbm>>
      %dma_wait3A_24 = arith.constant 0 : i32
      %dma_wait3A_25 = arith.constant 0 : i32
      %dma_wait3A_26 = tpu.memref_slice %arg2[%add3A, %dma_wait3A_24, %dma_wait3A_25] : memref<32x84x120xi32, #tpu.memory_space<hbm>> -> memref<1x84x120xi32, #tpu.memory_space<hbm>>
      %dma_wait3A_27 = tpu.memref_squeeze %dma_wait3A_26 : memref<1x84x120xi32, #tpu.memory_space<hbm>> -> memref<84x120xi32, #tpu.memory_space<hbm>>
      tpu.wait_dma2 semaphore(%run_scoped3A : memref<!tpu.dma_semaphore, #tpu.memory_space<semaphore_mem>>) src(%dma_wait3A_27 : memref<84x120xi32, #tpu.memory_space<hbm>>) dst(%arg7 : memref<84x120xi32, #tpu.memory_space<vmem>>)
      tpu.yield
    }) : () -> ()
    "tpu.region"() ({
      %run_scoped3A = tpu.sem_alloc : memref<!tpu.dma_semaphore, #tpu.memory_space<semaphore_mem>>
      tpu.enqueue_dma source(%arg3 : memref<120xf32, #tpu.memory_space<hbm>>) target(%arg8 : memref<120xf32, #tpu.memory_space<vmem>>) target_semaphore(%run_scoped3A : memref<!tpu.dma_semaphore, #tpu.memory_space<semaphore_mem>>)
      tpu.wait_dma2 semaphore(%run_scoped3A : memref<!tpu.dma_semaphore, #tpu.memory_space<semaphore_mem>>) src(%arg3 : memref<120xf32, #tpu.memory_space<hbm>>) dst(%arg8 : memref<120xf32, #tpu.memory_space<vmem>>)
      tpu.yield
    }) : () -> ()
    %barrier3A = arith.constant 0 : index
    tpu.barrier barrier_id(%barrier3A)
    %scan3A = arith.constant 0 : i32
    %scan3A_3 = arith.constant 0 : i32
    %scan3A_4 = arith.constant 84 : i32
    %scan3A_5 = arith.addi %scan3A_3, %scan3A_4 : i32
    %scan3A_6 = arith.constant 1 : i32
    scf.for %scan3A_14 = %scan3A_3 to %scan3A_5 step %scan3A_6  : i32 {
      "tpu.region"() ({
        %run_scoped3A = tpu.sem_alloc : memref<!tpu.dma_semaphore, #tpu.memory_space<semaphore_mem>>
        %dma_start3A = arith.constant 0 : i32
        %dma_start3A_15 = tpu.memref_slice %arg7[%scan3A_14, %dma_start3A] : memref<84x120xi32, #tpu.memory_space<vmem>> -> memref<1x120xi32, #tpu.memory_space<vmem>>
        %dma_start3A_16 = tpu.memref_squeeze %dma_start3A_15 : memref<1x120xi32, #tpu.memory_space<vmem>> -> memref<120xi32, #tpu.memory_space<vmem>>
        %dma_start3A_17 = arith.constant 0 : i32
        %dma_start3A_18 = tpu.memref_slice %arg6[%dma_start3A_17] : memref<10240xf32, #tpu.memory_space<vmem_shared>> -> memref<10240xf32, #tpu.memory_space<vmem_shared>>
        tpu.enqueue_indirect_dma source(%arg8 : memref<120xf32, #tpu.memory_space<vmem>>) target(%dma_start3A_18 : memref<10240xf32, #tpu.memory_space<vmem_shared>>) offsets(%dma_start3A_16 : memref<120xi32, #tpu.memory_space<vmem>>) semaphore(%run_scoped3A : memref<!tpu.dma_semaphore, #tpu.memory_space<semaphore_mem>>) {add = true}
        %dma_wait3A = arith.constant 0 : i32
        %dma_wait3A_19 = tpu.memref_slice %arg7[%scan3A_14, %dma_wait3A] : memref<84x120xi32, #tpu.memory_space<vmem>> -> memref<1x120xi32, #tpu.memory_space<vmem>>
        %dma_wait3A_20 = tpu.memref_squeeze %dma_wait3A_19 : memref<1x120xi32, #tpu.memory_space<vmem>> -> memref<120xi32, #tpu.memory_space<vmem>>
        %dma_wait3A_21 = arith.constant 0 : i32
        %dma_wait3A_22 = tpu.memref_slice %arg6[%dma_wait3A_21] : memref<10240xf32, #tpu.memory_space<vmem_shared>> -> memref<10240xf32, #tpu.memory_space<vmem_shared>>
        tpu.wait_indirect_dma semaphore(%run_scoped3A : memref<!tpu.dma_semaphore, #tpu.memory_space<semaphore_mem>>) src(%arg8 : memref<120xf32, #tpu.memory_space<vmem>>) dst(%dma_wait3A_22 : memref<10240xf32, #tpu.memory_space<vmem_shared>>)
        tpu.yield
      }) : () -> ()
    }
    %scan3A_7 = arith.constant 84 : i32
    %barrier3A_8 = arith.constant 0 : index
    tpu.barrier barrier_id(%barrier3A_8)
    %eq3A_9 = arith.constant 0 : i32
    %eq3A_10 = arith.cmpi eq, %arg1, %eq3A_9 : i32
    %convert_element_type3A_11 = arith.extui %eq3A_10 : i1 to i32
    %cond3A_12 = arith.constant 0 : i32
    %cond3A_13 = arith.cmpi ne, %convert_element_type3A_11, %cond3A_12 : i32
    scf.if %cond3A_13 {
      %mul3A_14 = arith.constant 10240 : i32
      %mul3A_15 = arith.muli %arg0, %mul3A_14 : i32
      "tpu.region"() ({
        %run_scoped3A = tpu.sem_alloc : memref<!tpu.dma_semaphore, #tpu.memory_space<semaphore_mem>>
        %dma_start3A = tpu.memref_slice %arg5[%mul3A_15] : memref<20480xf32, #tpu.memory_space<hbm>> -> memref<10240xf32, #tpu.memory_space<hbm>>
        tpu.enqueue_dma source(%arg6 : memref<10240xf32, #tpu.memory_space<vmem_shared>>) target(%dma_start3A : memref<10240xf32, #tpu.memory_space<hbm>>) target_semaphore(%run_scoped3A : memref<!tpu.dma_semaphore, #tpu.memory_space<semaphore_mem>>)
        %dma_wait3A = tpu.memref_slice %arg5[%mul3A_15] : memref<20480xf32, #tpu.memory_space<hbm>> -> memref<10240xf32, #tpu.memory_space<hbm>>
        tpu.wait_dma2 semaphore(%run_scoped3A : memref<!tpu.dma_semaphore, #tpu.memory_space<semaphore_mem>>) src(%arg6 : memref<10240xf32, #tpu.memory_space<vmem_shared>>) dst(%dma_wait3A : memref<10240xf32, #tpu.memory_space<hbm>>)
        tpu.yield
      }) : () -> ()
    } else {
    }
    return
  }
}

#map = affine_map<(d0, d1) -> (0, 0)>
#map1 = affine_map<(d0, d1) -> (0)>
#map2 = affine_map<(d0, d1) -> (0, 0, 0)>
module attributes {stable_mosaic.version = 14 : i64} {
  func.func @_spmm_body(%arg0: i32, %arg1: i32, %arg2: memref<10240x128xf32, #tpu.memory_space<hbm>>, %arg3: memref<322560xi32, #tpu.memory_space<hbm>>, %arg4: memref<322560xi32, #tpu.memory_space<hbm>>, %arg5: memref<640x128xf32, #tpu.memory_space<hbm>>, %arg6: memref<2x10240x128xf32, #tpu.memory_space<hbm>>, %arg7: memref<10240x128xf32, #tpu.memory_space<vmem_shared>>, %arg8: memref<120xi32, #tpu.memory_space<vmem>>, %arg9: memref<120xi32, #tpu.memory_space<vmem>>, %arg10: memref<120xi32, #tpu.memory_space<vmem>>, %arg11: memref<120xi32, #tpu.memory_space<vmem>>, %arg12: memref<120xi32, #tpu.memory_space<vmem>>, %arg13: memref<120xi32, #tpu.memory_space<vmem>>, %arg14: memref<120xi32, #tpu.memory_space<vmem>>, %arg15: memref<120xi32, #tpu.memory_space<vmem>>, %arg16: memref<120xi32, #tpu.memory_space<vmem>>, %arg17: memref<120xi32, #tpu.memory_space<vmem>>, %arg18: memref<120xi32, #tpu.memory_space<vmem>>, %arg19: memref<120xi32, #tpu.memory_space<vmem>>, %arg20: memref<!tpu.dma_semaphore, #tpu.memory_space<semaphore_mem>>, %arg21: memref<!tpu.dma_semaphore, #tpu.memory_space<semaphore_mem>>, %arg22: memref<!tpu.dma_semaphore, #tpu.memory_space<semaphore_mem>>, %arg23: memref<!tpu.dma_semaphore, #tpu.memory_space<semaphore_mem>>, %arg24: memref<!tpu.dma_semaphore, #tpu.memory_space<semaphore_mem>>, %arg25: memref<!tpu.dma_semaphore, #tpu.memory_space<semaphore_mem>>, %arg26: memref<120x128xf32, #tpu.memory_space<vmem>>, %arg27: memref<120x128xf32, #tpu.memory_space<vmem>>, %arg28: memref<120x128xf32, #tpu.memory_space<vmem>>, %arg29: memref<!tpu.dma_semaphore, #tpu.memory_space<semaphore_mem>>, %arg30: memref<!tpu.dma_semaphore, #tpu.memory_space<semaphore_mem>>, %arg31: memref<!tpu.dma_semaphore, #tpu.memory_space<semaphore_mem>>, %arg32: memref<!tpu.dma_semaphore, #tpu.memory_space<semaphore_mem>>, %arg33: memref<!tpu.dma_semaphore, #tpu.memory_space<semaphore_mem>>, %arg34: memref<!tpu.dma_semaphore, #tpu.memory_space<semaphore_mem>>) attributes {dimension_semantics = [#tpu.dimension_semantics<core_parallel>, #tpu.dimension_semantics<subcore_parallel>], iteration_bounds = array<i64: 2, 16>, scalar_prefetch = 0 : i64, scratch_operands = 28 : i64, tpu.core_type = #tpu.core_type<sc_vector_subcore>, window_params = [{transform_indices = #map}, {transform_indices = #map1}, {transform_indices = #map1}, {transform_indices = #map}, {transform_indices = #map2}]} {
    %mul3A = arith.constant 16 : i32
    %mul3A_0 = arith.muli %arg0, %mul3A : i32
    %add3A = arith.addi %mul3A_0, %arg1 : i32
    %mul3A_1 = arith.constant 640 : i32
    %mul3A_2 = arith.muli %arg1, %mul3A_1 : i32
    "tpu.region"() ({
      %run_scoped3A = tpu.sem_alloc : memref<!tpu.dma_semaphore, #tpu.memory_space<semaphore_mem>>
      %dma_start3A_42 = arith.constant 0 : i32
      %dma_start3A_43 = tpu.memref_slice %arg7[%mul3A_2, %dma_start3A_42] : memref<10240x128xf32, #tpu.memory_space<vmem_shared>> -> memref<640x128xf32, #tpu.memory_space<vmem_shared>>
      tpu.enqueue_dma source(%arg5 : memref<640x128xf32, #tpu.memory_space<hbm>>) target(%dma_start3A_43 : memref<640x128xf32, #tpu.memory_space<vmem_shared>>) target_semaphore(%run_scoped3A : memref<!tpu.dma_semaphore, #tpu.memory_space<semaphore_mem>>)
      %dma_wait3A_44 = arith.constant 0 : i32
      %dma_wait3A_45 = tpu.memref_slice %arg7[%mul3A_2, %dma_wait3A_44] : memref<10240x128xf32, #tpu.memory_space<vmem_shared>> -> memref<640x128xf32, #tpu.memory_space<vmem_shared>>
      tpu.wait_dma2 semaphore(%run_scoped3A : memref<!tpu.dma_semaphore, #tpu.memory_space<semaphore_mem>>) src(%arg5 : memref<640x128xf32, #tpu.memory_space<hbm>>) dst(%dma_wait3A_45 : memref<640x128xf32, #tpu.memory_space<vmem_shared>>)
      tpu.yield
    }) : () -> ()
    %barrier3A = arith.constant 0 : index
    tpu.barrier barrier_id(%barrier3A)
    %mul3A_3 = arith.constant 10080 : i32
    %mul3A_4 = arith.muli %add3A, %mul3A_3 : i32
    %add3A_5 = arith.constant 0 : i32
    %add3A_6 = arith.addi %mul3A_4, %add3A_5 : i32
    %dma_start3A = tpu.memref_slice %arg3[%add3A_6] : memref<322560xi32, #tpu.memory_space<hbm>> -> memref<120xi32, #tpu.memory_space<hbm>>
    %dma_start3A_7 = tpu.memref_slice %arg3[%add3A_6] : memref<322560xi32, #tpu.memory_space<hbm>> -> memref<120xi32, #tpu.memory_space<hbm>>
    tpu.enqueue_dma source(%dma_start3A_7 : memref<120xi32, #tpu.memory_space<hbm>>) target(%arg8 : memref<120xi32, #tpu.memory_space<vmem>>) target_semaphore(%arg20 : memref<!tpu.dma_semaphore, #tpu.memory_space<semaphore_mem>>)
    %add3A_8 = arith.constant 0 : i32
    %add3A_9 = arith.addi %mul3A_4, %add3A_8 : i32
    %dma_start3A_10 = tpu.memref_slice %arg4[%add3A_9] : memref<322560xi32, #tpu.memory_space<hbm>> -> memref<120xi32, #tpu.memory_space<hbm>>
    %dma_start3A_11 = tpu.memref_slice %arg4[%add3A_9] : memref<322560xi32, #tpu.memory_space<hbm>> -> memref<120xi32, #tpu.memory_space<hbm>>
    tpu.enqueue_dma source(%dma_start3A_11 : memref<120xi32, #tpu.memory_space<hbm>>) target(%arg14 : memref<120xi32, #tpu.memory_space<vmem>>) target_semaphore(%arg20 : memref<!tpu.dma_semaphore, #tpu.memory_space<semaphore_mem>>)
    %add3A_12 = arith.constant 120 : i32
    %add3A_13 = arith.addi %mul3A_4, %add3A_12 : i32
    %dma_start3A_14 = tpu.memref_slice %arg3[%add3A_13] : memref<322560xi32, #tpu.memory_space<hbm>> -> memref<120xi32, #tpu.memory_space<hbm>>
    %dma_start3A_15 = tpu.memref_slice %arg3[%add3A_13] : memref<322560xi32, #tpu.memory_space<hbm>> -> memref<120xi32, #tpu.memory_space<hbm>>
    tpu.enqueue_dma source(%dma_start3A_15 : memref<120xi32, #tpu.memory_space<hbm>>) target(%arg9 : memref<120xi32, #tpu.memory_space<vmem>>) target_semaphore(%arg21 : memref<!tpu.dma_semaphore, #tpu.memory_space<semaphore_mem>>)
    %add3A_16 = arith.constant 120 : i32
    %add3A_17 = arith.addi %mul3A_4, %add3A_16 : i32
    %dma_start3A_18 = tpu.memref_slice %arg4[%add3A_17] : memref<322560xi32, #tpu.memory_space<hbm>> -> memref<120xi32, #tpu.memory_space<hbm>>
    %dma_start3A_19 = tpu.memref_slice %arg4[%add3A_17] : memref<322560xi32, #tpu.memory_space<hbm>> -> memref<120xi32, #tpu.memory_space<hbm>>
    tpu.enqueue_dma source(%dma_start3A_19 : memref<120xi32, #tpu.memory_space<hbm>>) target(%arg15 : memref<120xi32, #tpu.memory_space<vmem>>) target_semaphore(%arg21 : memref<!tpu.dma_semaphore, #tpu.memory_space<semaphore_mem>>)
    %dma_wait3A = tpu.memref_slice %arg3[%mul3A_4] : memref<322560xi32, #tpu.memory_space<hbm>> -> memref<120xi32, #tpu.memory_space<hbm>>
    %dma_wait3A_20 = tpu.memref_slice %arg3[%mul3A_4] : memref<322560xi32, #tpu.memory_space<hbm>> -> memref<120xi32, #tpu.memory_space<hbm>>
    tpu.wait_dma2 semaphore(%arg20 : memref<!tpu.dma_semaphore, #tpu.memory_space<semaphore_mem>>) src(%dma_wait3A_20 : memref<120xi32, #tpu.memory_space<hbm>>) dst(%arg8 : memref<120xi32, #tpu.memory_space<vmem>>)
    %dma_wait3A_21 = tpu.memref_slice %arg4[%mul3A_4] : memref<322560xi32, #tpu.memory_space<hbm>> -> memref<120xi32, #tpu.memory_space<hbm>>
    %dma_wait3A_22 = tpu.memref_slice %arg4[%mul3A_4] : memref<322560xi32, #tpu.memory_space<hbm>> -> memref<120xi32, #tpu.memory_space<hbm>>
    tpu.wait_dma2 semaphore(%arg20 : memref<!tpu.dma_semaphore, #tpu.memory_space<semaphore_mem>>) src(%dma_wait3A_22 : memref<120xi32, #tpu.memory_space<hbm>>) dst(%arg14 : memref<120xi32, #tpu.memory_space<vmem>>)
    %dma_start3A_23 = arith.constant 0 : i32
    %dma_start3A_24 = arith.constant 0 : i32
    %dma_start3A_25 = tpu.memref_slice %arg2[%dma_start3A_23, %dma_start3A_24] : memref<10240x128xf32, #tpu.memory_space<hbm>> -> memref<10240x128xf32, #tpu.memory_space<hbm>>
    tpu.enqueue_indirect_dma source(%dma_start3A_25 : memref<10240x128xf32, #tpu.memory_space<hbm>>) target(%arg26 : memref<120x128xf32, #tpu.memory_space<vmem>>) offsets(%arg8 : memref<120xi32, #tpu.memory_space<vmem>>) semaphore(%arg29 : memref<!tpu.dma_semaphore, #tpu.memory_space<semaphore_mem>>)
    %scan3A = arith.constant 0 : i32
    %scan3A_26 = arith.constant 0 : i32
    %scan3A_27 = arith.constant 14 : i32
    %scan3A_28 = arith.addi %scan3A_26, %scan3A_27 : i32
    %scan3A_29 = arith.constant 1 : i32
    scf.for %scan3A_42 = %scan3A_26 to %scan3A_28 step %scan3A_29  : i32 {
      %mul3A_43 = arith.constant 6 : i32
      %mul3A_44 = arith.muli %scan3A_42, %mul3A_43 : i32
      %add3A_45 = arith.constant 0 : i32
      %add3A_46 = arith.addi %mul3A_44, %add3A_45 : i32
      %ge3A = arith.constant 2 : i32
      %ge3A_47 = arith.cmpi sge, %add3A_46, %ge3A : i32
      %convert_element_type3A = arith.extui %ge3A_47 : i1 to i32
      %cond3A = arith.constant 0 : i32
      %cond3A_48 = arith.cmpi ne, %convert_element_type3A, %cond3A : i32
      scf.if %cond3A_48 {
        %dma_wait3A_213 = arith.constant 0 : i32
        %dma_wait3A_214 = arith.constant 0 : i32
        %dma_wait3A_215 = tpu.memref_slice %arg7[%dma_wait3A_213, %dma_wait3A_214] : memref<10240x128xf32, #tpu.memory_space<vmem_shared>> -> memref<10240x128xf32, #tpu.memory_space<vmem_shared>>
        tpu.wait_indirect_dma semaphore(%arg33 : memref<!tpu.dma_semaphore, #tpu.memory_space<semaphore_mem>>) src(%arg27 : memref<120x128xf32, #tpu.memory_space<vmem>>) dst(%dma_wait3A_215 : memref<10240x128xf32, #tpu.memory_space<vmem_shared>>)
      } else {
      }
      %add3A_49 = arith.constant 1 : i32
      %add3A_50 = arith.addi %add3A_46, %add3A_49 : i32
      %lt3A = arith.constant 84 : i32
      %lt3A_51 = arith.cmpi slt, %add3A_50, %lt3A : i32
      %convert_element_type3A_52 = arith.extui %lt3A_51 : i1 to i32
      %cond3A_53 = arith.constant 0 : i32
      %cond3A_54 = arith.cmpi ne, %convert_element_type3A_52, %cond3A_53 : i32
      scf.if %cond3A_54 {
        %dma_wait3A_213 = tpu.memref_slice %arg3[%mul3A_4] : memref<322560xi32, #tpu.memory_space<hbm>> -> memref<120xi32, #tpu.memory_space<hbm>>
        %dma_wait3A_214 = tpu.memref_slice %arg3[%mul3A_4] : memref<322560xi32, #tpu.memory_space<hbm>> -> memref<120xi32, #tpu.memory_space<hbm>>
        tpu.wait_dma2 semaphore(%arg21 : memref<!tpu.dma_semaphore, #tpu.memory_space<semaphore_mem>>) src(%dma_wait3A_214 : memref<120xi32, #tpu.memory_space<hbm>>) dst(%arg9 : memref<120xi32, #tpu.memory_space<vmem>>)
        %dma_wait3A_215 = tpu.memref_slice %arg4[%mul3A_4] : memref<322560xi32, #tpu.memory_space<hbm>> -> memref<120xi32, #tpu.memory_space<hbm>>
        %dma_wait3A_216 = tpu.memref_slice %arg4[%mul3A_4] : memref<322560xi32, #tpu.memory_space<hbm>> -> memref<120xi32, #tpu.memory_space<hbm>>
        tpu.wait_dma2 semaphore(%arg21 : memref<!tpu.dma_semaphore, #tpu.memory_space<semaphore_mem>>) src(%dma_wait3A_216 : memref<120xi32, #tpu.memory_space<hbm>>) dst(%arg15 : memref<120xi32, #tpu.memory_space<vmem>>)
        %dma_start3A_217 = arith.constant 0 : i32
        %dma_start3A_218 = arith.constant 0 : i32
        %dma_start3A_219 = tpu.memref_slice %arg2[%dma_start3A_217, %dma_start3A_218] : memref<10240x128xf32, #tpu.memory_space<hbm>> -> memref<10240x128xf32, #tpu.memory_space<hbm>>
        tpu.enqueue_indirect_dma source(%dma_start3A_219 : memref<10240x128xf32, #tpu.memory_space<hbm>>) target(%arg27 : memref<120x128xf32, #tpu.memory_space<vmem>>) offsets(%arg9 : memref<120xi32, #tpu.memory_space<vmem>>) semaphore(%arg30 : memref<!tpu.dma_semaphore, #tpu.memory_space<semaphore_mem>>)
      } else {
      }
      %dma_wait3A_55 = arith.constant 0 : i32
      %dma_wait3A_56 = arith.constant 0 : i32
      %dma_wait3A_57 = tpu.memref_slice %arg2[%dma_wait3A_55, %dma_wait3A_56] : memref<10240x128xf32, #tpu.memory_space<hbm>> -> memref<10240x128xf32, #tpu.memory_space<hbm>>
      tpu.wait_indirect_dma semaphore(%arg29 : memref<!tpu.dma_semaphore, #tpu.memory_space<semaphore_mem>>) src(%dma_wait3A_57 : memref<10240x128xf32, #tpu.memory_space<hbm>>) dst(%arg26 : memref<120x128xf32, #tpu.memory_space<vmem>>)
      %dma_start3A_58 = arith.constant 0 : i32
      %dma_start3A_59 = arith.constant 0 : i32
      %dma_start3A_60 = tpu.memref_slice %arg7[%dma_start3A_58, %dma_start3A_59] : memref<10240x128xf32, #tpu.memory_space<vmem_shared>> -> memref<10240x128xf32, #tpu.memory_space<vmem_shared>>
      tpu.enqueue_indirect_dma source(%arg26 : memref<120x128xf32, #tpu.memory_space<vmem>>) target(%dma_start3A_60 : memref<10240x128xf32, #tpu.memory_space<vmem_shared>>) offsets(%arg14 : memref<120xi32, #tpu.memory_space<vmem>>) semaphore(%arg32 : memref<!tpu.dma_semaphore, #tpu.memory_space<semaphore_mem>>) {add = true}
      %add3A_61 = arith.constant 2 : i32
      %add3A_62 = arith.addi %add3A_46, %add3A_61 : i32
      %lt3A_63 = arith.constant 84 : i32
      %lt3A_64 = arith.cmpi slt, %add3A_62, %lt3A_63 : i32
      %convert_element_type3A_65 = arith.extui %lt3A_64 : i1 to i32
      %cond3A_66 = arith.constant 0 : i32
      %cond3A_67 = arith.cmpi ne, %convert_element_type3A_65, %cond3A_66 : i32
      scf.if %cond3A_67 {
        %add3A_213 = arith.constant 2 : i32
        %add3A_214 = arith.addi %add3A_46, %add3A_213 : i32
        %mul3A_215 = arith.constant 120 : i32
        %mul3A_216 = arith.muli %add3A_214, %mul3A_215 : i32
        %add3A_217 = arith.addi %mul3A_4, %mul3A_216 : i32
        %dma_start3A_218 = tpu.memref_slice %arg3[%add3A_217] : memref<322560xi32, #tpu.memory_space<hbm>> -> memref<120xi32, #tpu.memory_space<hbm>>
        %dma_start3A_219 = tpu.memref_slice %arg3[%add3A_217] : memref<322560xi32, #tpu.memory_space<hbm>> -> memref<120xi32, #tpu.memory_space<hbm>>
        tpu.enqueue_dma source(%dma_start3A_219 : memref<120xi32, #tpu.memory_space<hbm>>) target(%arg10 : memref<120xi32, #tpu.memory_space<vmem>>) target_semaphore(%arg22 : memref<!tpu.dma_semaphore, #tpu.memory_space<semaphore_mem>>)
        %mul3A_220 = arith.constant 120 : i32
        %mul3A_221 = arith.muli %add3A_214, %mul3A_220 : i32
        %add3A_222 = arith.addi %mul3A_4, %mul3A_221 : i32
        %dma_start3A_223 = tpu.memref_slice %arg4[%add3A_222] : memref<322560xi32, #tpu.memory_space<hbm>> -> memref<120xi32, #tpu.memory_space<hbm>>
        %dma_start3A_224 = tpu.memref_slice %arg4[%add3A_222] : memref<322560xi32, #tpu.memory_space<hbm>> -> memref<120xi32, #tpu.memory_space<hbm>>
        tpu.enqueue_dma source(%dma_start3A_224 : memref<120xi32, #tpu.memory_space<hbm>>) target(%arg16 : memref<120xi32, #tpu.memory_space<vmem>>) target_semaphore(%arg22 : memref<!tpu.dma_semaphore, #tpu.memory_space<semaphore_mem>>)
      } else {
      }
      %mul3A_68 = arith.constant 6 : i32
      %mul3A_69 = arith.muli %scan3A_42, %mul3A_68 : i32
      %add3A_70 = arith.constant 1 : i32
      %add3A_71 = arith.addi %mul3A_69, %add3A_70 : i32
      %ge3A_72 = arith.constant 2 : i32
      %ge3A_73 = arith.cmpi sge, %add3A_71, %ge3A_72 : i32
      %convert_element_type3A_74 = arith.extui %ge3A_73 : i1 to i32
      %cond3A_75 = arith.constant 0 : i32
      %cond3A_76 = arith.cmpi ne, %convert_element_type3A_74, %cond3A_75 : i32
      scf.if %cond3A_76 {
        %dma_wait3A_213 = arith.constant 0 : i32
        %dma_wait3A_214 = arith.constant 0 : i32
        %dma_wait3A_215 = tpu.memref_slice %arg7[%dma_wait3A_213, %dma_wait3A_214] : memref<10240x128xf32, #tpu.memory_space<vmem_shared>> -> memref<10240x128xf32, #tpu.memory_space<vmem_shared>>
        tpu.wait_indirect_dma semaphore(%arg34 : memref<!tpu.dma_semaphore, #tpu.memory_space<semaphore_mem>>) src(%arg28 : memref<120x128xf32, #tpu.memory_space<vmem>>) dst(%dma_wait3A_215 : memref<10240x128xf32, #tpu.memory_space<vmem_shared>>)
      } else {
      }
      %add3A_77 = arith.constant 1 : i32
      %add3A_78 = arith.addi %add3A_71, %add3A_77 : i32
      %lt3A_79 = arith.constant 84 : i32
      %lt3A_80 = arith.cmpi slt, %add3A_78, %lt3A_79 : i32
      %convert_element_type3A_81 = arith.extui %lt3A_80 : i1 to i32
      %cond3A_82 = arith.constant 0 : i32
      %cond3A_83 = arith.cmpi ne, %convert_element_type3A_81, %cond3A_82 : i32
      scf.if %cond3A_83 {
        %dma_wait3A_213 = tpu.memref_slice %arg3[%mul3A_4] : memref<322560xi32, #tpu.memory_space<hbm>> -> memref<120xi32, #tpu.memory_space<hbm>>
        %dma_wait3A_214 = tpu.memref_slice %arg3[%mul3A_4] : memref<322560xi32, #tpu.memory_space<hbm>> -> memref<120xi32, #tpu.memory_space<hbm>>
        tpu.wait_dma2 semaphore(%arg22 : memref<!tpu.dma_semaphore, #tpu.memory_space<semaphore_mem>>) src(%dma_wait3A_214 : memref<120xi32, #tpu.memory_space<hbm>>) dst(%arg10 : memref<120xi32, #tpu.memory_space<vmem>>)
        %dma_wait3A_215 = tpu.memref_slice %arg4[%mul3A_4] : memref<322560xi32, #tpu.memory_space<hbm>> -> memref<120xi32, #tpu.memory_space<hbm>>
        %dma_wait3A_216 = tpu.memref_slice %arg4[%mul3A_4] : memref<322560xi32, #tpu.memory_space<hbm>> -> memref<120xi32, #tpu.memory_space<hbm>>
        tpu.wait_dma2 semaphore(%arg22 : memref<!tpu.dma_semaphore, #tpu.memory_space<semaphore_mem>>) src(%dma_wait3A_216 : memref<120xi32, #tpu.memory_space<hbm>>) dst(%arg16 : memref<120xi32, #tpu.memory_space<vmem>>)
        %dma_start3A_217 = arith.constant 0 : i32
        %dma_start3A_218 = arith.constant 0 : i32
        %dma_start3A_219 = tpu.memref_slice %arg2[%dma_start3A_217, %dma_start3A_218] : memref<10240x128xf32, #tpu.memory_space<hbm>> -> memref<10240x128xf32, #tpu.memory_space<hbm>>
        tpu.enqueue_indirect_dma source(%dma_start3A_219 : memref<10240x128xf32, #tpu.memory_space<hbm>>) target(%arg28 : memref<120x128xf32, #tpu.memory_space<vmem>>) offsets(%arg10 : memref<120xi32, #tpu.memory_space<vmem>>) semaphore(%arg31 : memref<!tpu.dma_semaphore, #tpu.memory_space<semaphore_mem>>)
      } else {
      }
      %dma_wait3A_84 = arith.constant 0 : i32
      %dma_wait3A_85 = arith.constant 0 : i32
      %dma_wait3A_86 = tpu.memref_slice %arg2[%dma_wait3A_84, %dma_wait3A_85] : memref<10240x128xf32, #tpu.memory_space<hbm>> -> memref<10240x128xf32, #tpu.memory_space<hbm>>
      tpu.wait_indirect_dma semaphore(%arg30 : memref<!tpu.dma_semaphore, #tpu.memory_space<semaphore_mem>>) src(%dma_wait3A_86 : memref<10240x128xf32, #tpu.memory_space<hbm>>) dst(%arg27 : memref<120x128xf32, #tpu.memory_space<vmem>>)
      %dma_start3A_87 = arith.constant 0 : i32
      %dma_start3A_88 = arith.constant 0 : i32
      %dma_start3A_89 = tpu.memref_slice %arg7[%dma_start3A_87, %dma_start3A_88] : memref<10240x128xf32, #tpu.memory_space<vmem_shared>> -> memref<10240x128xf32, #tpu.memory_space<vmem_shared>>
      tpu.enqueue_indirect_dma source(%arg27 : memref<120x128xf32, #tpu.memory_space<vmem>>) target(%dma_start3A_89 : memref<10240x128xf32, #tpu.memory_space<vmem_shared>>) offsets(%arg15 : memref<120xi32, #tpu.memory_space<vmem>>) semaphore(%arg33 : memref<!tpu.dma_semaphore, #tpu.memory_space<semaphore_mem>>) {add = true}
      %add3A_90 = arith.constant 2 : i32
      %add3A_91 = arith.addi %add3A_71, %add3A_90 : i32
      %lt3A_92 = arith.constant 84 : i32
      %lt3A_93 = arith.cmpi slt, %add3A_91, %lt3A_92 : i32
      %convert_element_type3A_94 = arith.extui %lt3A_93 : i1 to i32
      %cond3A_95 = arith.constant 0 : i32
      %cond3A_96 = arith.cmpi ne, %convert_element_type3A_94, %cond3A_95 : i32
      scf.if %cond3A_96 {
        %add3A_213 = arith.constant 2 : i32
        %add3A_214 = arith.addi %add3A_71, %add3A_213 : i32
        %mul3A_215 = arith.constant 120 : i32
        %mul3A_216 = arith.muli %add3A_214, %mul3A_215 : i32
        %add3A_217 = arith.addi %mul3A_4, %mul3A_216 : i32
        %dma_start3A_218 = tpu.memref_slice %arg3[%add3A_217] : memref<322560xi32, #tpu.memory_space<hbm>> -> memref<120xi32, #tpu.memory_space<hbm>>
        %dma_start3A_219 = tpu.memref_slice %arg3[%add3A_217] : memref<322560xi32, #tpu.memory_space<hbm>> -> memref<120xi32, #tpu.memory_space<hbm>>
        tpu.enqueue_dma source(%dma_start3A_219 : memref<120xi32, #tpu.memory_space<hbm>>) target(%arg11 : memref<120xi32, #tpu.memory_space<vmem>>) target_semaphore(%arg23 : memref<!tpu.dma_semaphore, #tpu.memory_space<semaphore_mem>>)
        %mul3A_220 = arith.constant 120 : i32
        %mul3A_221 = arith.muli %add3A_214, %mul3A_220 : i32
        %add3A_222 = arith.addi %mul3A_4, %mul3A_221 : i32
        %dma_start3A_223 = tpu.memref_slice %arg4[%add3A_222] : memref<322560xi32, #tpu.memory_space<hbm>> -> memref<120xi32, #tpu.memory_space<hbm>>
        %dma_start3A_224 = tpu.memref_slice %arg4[%add3A_222] : memref<322560xi32, #tpu.memory_space<hbm>> -> memref<120xi32, #tpu.memory_space<hbm>>
        tpu.enqueue_dma source(%dma_start3A_224 : memref<120xi32, #tpu.memory_space<hbm>>) target(%arg17 : memref<120xi32, #tpu.memory_space<vmem>>) target_semaphore(%arg23 : memref<!tpu.dma_semaphore, #tpu.memory_space<semaphore_mem>>)
      } else {
      }
      %mul3A_97 = arith.constant 6 : i32
      %mul3A_98 = arith.muli %scan3A_42, %mul3A_97 : i32
      %add3A_99 = arith.constant 2 : i32
      %add3A_100 = arith.addi %mul3A_98, %add3A_99 : i32
      %ge3A_101 = arith.constant 2 : i32
      %ge3A_102 = arith.cmpi sge, %add3A_100, %ge3A_101 : i32
      %convert_element_type3A_103 = arith.extui %ge3A_102 : i1 to i32
      %cond3A_104 = arith.constant 0 : i32
      %cond3A_105 = arith.cmpi ne, %convert_element_type3A_103, %cond3A_104 : i32
      scf.if %cond3A_105 {
        %dma_wait3A_213 = arith.constant 0 : i32
        %dma_wait3A_214 = arith.constant 0 : i32
        %dma_wait3A_215 = tpu.memref_slice %arg7[%dma_wait3A_213, %dma_wait3A_214] : memref<10240x128xf32, #tpu.memory_space<vmem_shared>> -> memref<10240x128xf32, #tpu.memory_space<vmem_shared>>
        tpu.wait_indirect_dma semaphore(%arg32 : memref<!tpu.dma_semaphore, #tpu.memory_space<semaphore_mem>>) src(%arg26 : memref<120x128xf32, #tpu.memory_space<vmem>>) dst(%dma_wait3A_215 : memref<10240x128xf32, #tpu.memory_space<vmem_shared>>)
      } else {
      }
      %add3A_106 = arith.constant 1 : i32
      %add3A_107 = arith.addi %add3A_100, %add3A_106 : i32
      %lt3A_108 = arith.constant 84 : i32
      %lt3A_109 = arith.cmpi slt, %add3A_107, %lt3A_108 : i32
      %convert_element_type3A_110 = arith.extui %lt3A_109 : i1 to i32
      %cond3A_111 = arith.constant 0 : i32
      %cond3A_112 = arith.cmpi ne, %convert_element_type3A_110, %cond3A_111 : i32
      scf.if %cond3A_112 {
        %dma_wait3A_213 = tpu.memref_slice %arg3[%mul3A_4] : memref<322560xi32, #tpu.memory_space<hbm>> -> memref<120xi32, #tpu.memory_space<hbm>>
        %dma_wait3A_214 = tpu.memref_slice %arg3[%mul3A_4] : memref<322560xi32, #tpu.memory_space<hbm>> -> memref<120xi32, #tpu.memory_space<hbm>>
        tpu.wait_dma2 semaphore(%arg23 : memref<!tpu.dma_semaphore, #tpu.memory_space<semaphore_mem>>) src(%dma_wait3A_214 : memref<120xi32, #tpu.memory_space<hbm>>) dst(%arg11 : memref<120xi32, #tpu.memory_space<vmem>>)
        %dma_wait3A_215 = tpu.memref_slice %arg4[%mul3A_4] : memref<322560xi32, #tpu.memory_space<hbm>> -> memref<120xi32, #tpu.memory_space<hbm>>
        %dma_wait3A_216 = tpu.memref_slice %arg4[%mul3A_4] : memref<322560xi32, #tpu.memory_space<hbm>> -> memref<120xi32, #tpu.memory_space<hbm>>
        tpu.wait_dma2 semaphore(%arg23 : memref<!tpu.dma_semaphore, #tpu.memory_space<semaphore_mem>>) src(%dma_wait3A_216 : memref<120xi32, #tpu.memory_space<hbm>>) dst(%arg17 : memref<120xi32, #tpu.memory_space<vmem>>)
        %dma_start3A_217 = arith.constant 0 : i32
        %dma_start3A_218 = arith.constant 0 : i32
        %dma_start3A_219 = tpu.memref_slice %arg2[%dma_start3A_217, %dma_start3A_218] : memref<10240x128xf32, #tpu.memory_space<hbm>> -> memref<10240x128xf32, #tpu.memory_space<hbm>>
        tpu.enqueue_indirect_dma source(%dma_start3A_219 : memref<10240x128xf32, #tpu.memory_space<hbm>>) target(%arg26 : memref<120x128xf32, #tpu.memory_space<vmem>>) offsets(%arg11 : memref<120xi32, #tpu.memory_space<vmem>>) semaphore(%arg29 : memref<!tpu.dma_semaphore, #tpu.memory_space<semaphore_mem>>)
      } else {
      }
      %dma_wait3A_113 = arith.constant 0 : i32
      %dma_wait3A_114 = arith.constant 0 : i32
      %dma_wait3A_115 = tpu.memref_slice %arg2[%dma_wait3A_113, %dma_wait3A_114] : memref<10240x128xf32, #tpu.memory_space<hbm>> -> memref<10240x128xf32, #tpu.memory_space<hbm>>
      tpu.wait_indirect_dma semaphore(%arg31 : memref<!tpu.dma_semaphore, #tpu.memory_space<semaphore_mem>>) src(%dma_wait3A_115 : memref<10240x128xf32, #tpu.memory_space<hbm>>) dst(%arg28 : memref<120x128xf32, #tpu.memory_space<vmem>>)
      %dma_start3A_116 = arith.constant 0 : i32
      %dma_start3A_117 = arith.constant 0 : i32
      %dma_start3A_118 = tpu.memref_slice %arg7[%dma_start3A_116, %dma_start3A_117] : memref<10240x128xf32, #tpu.memory_space<vmem_shared>> -> memref<10240x128xf32, #tpu.memory_space<vmem_shared>>
      tpu.enqueue_indirect_dma source(%arg28 : memref<120x128xf32, #tpu.memory_space<vmem>>) target(%dma_start3A_118 : memref<10240x128xf32, #tpu.memory_space<vmem_shared>>) offsets(%arg16 : memref<120xi32, #tpu.memory_space<vmem>>) semaphore(%arg34 : memref<!tpu.dma_semaphore, #tpu.memory_space<semaphore_mem>>) {add = true}
      %add3A_119 = arith.constant 2 : i32
      %add3A_120 = arith.addi %add3A_100, %add3A_119 : i32
      %lt3A_121 = arith.constant 84 : i32
      %lt3A_122 = arith.cmpi slt, %add3A_120, %lt3A_121 : i32
      %convert_element_type3A_123 = arith.extui %lt3A_122 : i1 to i32
      %cond3A_124 = arith.constant 0 : i32
      %cond3A_125 = arith.cmpi ne, %convert_element_type3A_123, %cond3A_124 : i32
      scf.if %cond3A_125 {
        %add3A_213 = arith.constant 2 : i32
        %add3A_214 = arith.addi %add3A_100, %add3A_213 : i32
        %mul3A_215 = arith.constant 120 : i32
        %mul3A_216 = arith.muli %add3A_214, %mul3A_215 : i32
        %add3A_217 = arith.addi %mul3A_4, %mul3A_216 : i32
        %dma_start3A_218 = tpu.memref_slice %arg3[%add3A_217] : memref<322560xi32, #tpu.memory_space<hbm>> -> memref<120xi32, #tpu.memory_space<hbm>>
        %dma_start3A_219 = tpu.memref_slice %arg3[%add3A_217] : memref<322560xi32, #tpu.memory_space<hbm>> -> memref<120xi32, #tpu.memory_space<hbm>>
        tpu.enqueue_dma source(%dma_start3A_219 : memref<120xi32, #tpu.memory_space<hbm>>) target(%arg12 : memref<120xi32, #tpu.memory_space<vmem>>) target_semaphore(%arg24 : memref<!tpu.dma_semaphore, #tpu.memory_space<semaphore_mem>>)
        %mul3A_220 = arith.constant 120 : i32
        %mul3A_221 = arith.muli %add3A_214, %mul3A_220 : i32
        %add3A_222 = arith.addi %mul3A_4, %mul3A_221 : i32
        %dma_start3A_223 = tpu.memref_slice %arg4[%add3A_222] : memref<322560xi32, #tpu.memory_space<hbm>> -> memref<120xi32, #tpu.memory_space<hbm>>
        %dma_start3A_224 = tpu.memref_slice %arg4[%add3A_222] : memref<322560xi32, #tpu.memory_space<hbm>> -> memref<120xi32, #tpu.memory_space<hbm>>
        tpu.enqueue_dma source(%dma_start3A_224 : memref<120xi32, #tpu.memory_space<hbm>>) target(%arg18 : memref<120xi32, #tpu.memory_space<vmem>>) target_semaphore(%arg24 : memref<!tpu.dma_semaphore, #tpu.memory_space<semaphore_mem>>)
      } else {
      }
      %mul3A_126 = arith.constant 6 : i32
      %mul3A_127 = arith.muli %scan3A_42, %mul3A_126 : i32
      %add3A_128 = arith.constant 3 : i32
      %add3A_129 = arith.addi %mul3A_127, %add3A_128 : i32
      %ge3A_130 = arith.constant 2 : i32
      %ge3A_131 = arith.cmpi sge, %add3A_129, %ge3A_130 : i32
      %convert_element_type3A_132 = arith.extui %ge3A_131 : i1 to i32
      %cond3A_133 = arith.constant 0 : i32
      %cond3A_134 = arith.cmpi ne, %convert_element_type3A_132, %cond3A_133 : i32
      scf.if %cond3A_134 {
        %dma_wait3A_213 = arith.constant 0 : i32
        %dma_wait3A_214 = arith.constant 0 : i32
        %dma_wait3A_215 = tpu.memref_slice %arg7[%dma_wait3A_213, %dma_wait3A_214] : memref<10240x128xf32, #tpu.memory_space<vmem_shared>> -> memref<10240x128xf32, #tpu.memory_space<vmem_shared>>
        tpu.wait_indirect_dma semaphore(%arg33 : memref<!tpu.dma_semaphore, #tpu.memory_space<semaphore_mem>>) src(%arg27 : memref<120x128xf32, #tpu.memory_space<vmem>>) dst(%dma_wait3A_215 : memref<10240x128xf32, #tpu.memory_space<vmem_shared>>)
      } else {
      }
      %add3A_135 = arith.constant 1 : i32
      %add3A_136 = arith.addi %add3A_129, %add3A_135 : i32
      %lt3A_137 = arith.constant 84 : i32
      %lt3A_138 = arith.cmpi slt, %add3A_136, %lt3A_137 : i32
      %convert_element_type3A_139 = arith.extui %lt3A_138 : i1 to i32
      %cond3A_140 = arith.constant 0 : i32
      %cond3A_141 = arith.cmpi ne, %convert_element_type3A_139, %cond3A_140 : i32
      scf.if %cond3A_141 {
        %dma_wait3A_213 = tpu.memref_slice %arg3[%mul3A_4] : memref<322560xi32, #tpu.memory_space<hbm>> -> memref<120xi32, #tpu.memory_space<hbm>>
        %dma_wait3A_214 = tpu.memref_slice %arg3[%mul3A_4] : memref<322560xi32, #tpu.memory_space<hbm>> -> memref<120xi32, #tpu.memory_space<hbm>>
        tpu.wait_dma2 semaphore(%arg24 : memref<!tpu.dma_semaphore, #tpu.memory_space<semaphore_mem>>) src(%dma_wait3A_214 : memref<120xi32, #tpu.memory_space<hbm>>) dst(%arg12 : memref<120xi32, #tpu.memory_space<vmem>>)
        %dma_wait3A_215 = tpu.memref_slice %arg4[%mul3A_4] : memref<322560xi32, #tpu.memory_space<hbm>> -> memref<120xi32, #tpu.memory_space<hbm>>
        %dma_wait3A_216 = tpu.memref_slice %arg4[%mul3A_4] : memref<322560xi32, #tpu.memory_space<hbm>> -> memref<120xi32, #tpu.memory_space<hbm>>
        tpu.wait_dma2 semaphore(%arg24 : memref<!tpu.dma_semaphore, #tpu.memory_space<semaphore_mem>>) src(%dma_wait3A_216 : memref<120xi32, #tpu.memory_space<hbm>>) dst(%arg18 : memref<120xi32, #tpu.memory_space<vmem>>)
        %dma_start3A_217 = arith.constant 0 : i32
        %dma_start3A_218 = arith.constant 0 : i32
        %dma_start3A_219 = tpu.memref_slice %arg2[%dma_start3A_217, %dma_start3A_218] : memref<10240x128xf32, #tpu.memory_space<hbm>> -> memref<10240x128xf32, #tpu.memory_space<hbm>>
        tpu.enqueue_indirect_dma source(%dma_start3A_219 : memref<10240x128xf32, #tpu.memory_space<hbm>>) target(%arg27 : memref<120x128xf32, #tpu.memory_space<vmem>>) offsets(%arg12 : memref<120xi32, #tpu.memory_space<vmem>>) semaphore(%arg30 : memref<!tpu.dma_semaphore, #tpu.memory_space<semaphore_mem>>)
      } else {
      }
      %dma_wait3A_142 = arith.constant 0 : i32
      %dma_wait3A_143 = arith.constant 0 : i32
      %dma_wait3A_144 = tpu.memref_slice %arg2[%dma_wait3A_142, %dma_wait3A_143] : memref<10240x128xf32, #tpu.memory_space<hbm>> -> memref<10240x128xf32, #tpu.memory_space<hbm>>
      tpu.wait_indirect_dma semaphore(%arg29 : memref<!tpu.dma_semaphore, #tpu.memory_space<semaphore_mem>>) src(%dma_wait3A_144 : memref<10240x128xf32, #tpu.memory_space<hbm>>) dst(%arg26 : memref<120x128xf32, #tpu.memory_space<vmem>>)
      %dma_start3A_145 = arith.constant 0 : i32
      %dma_start3A_146 = arith.constant 0 : i32
      %dma_start3A_147 = tpu.memref_slice %arg7[%dma_start3A_145, %dma_start3A_146] : memref<10240x128xf32, #tpu.memory_space<vmem_shared>> -> memref<10240x128xf32, #tpu.memory_space<vmem_shared>>
      tpu.enqueue_indirect_dma source(%arg26 : memref<120x128xf32, #tpu.memory_space<vmem>>) target(%dma_start3A_147 : memref<10240x128xf32, #tpu.memory_space<vmem_shared>>) offsets(%arg17 : memref<120xi32, #tpu.memory_space<vmem>>) semaphore(%arg32 : memref<!tpu.dma_semaphore, #tpu.memory_space<semaphore_mem>>) {add = true}
      %add3A_148 = arith.constant 2 : i32
      %add3A_149 = arith.addi %add3A_129, %add3A_148 : i32
      %lt3A_150 = arith.constant 84 : i32
      %lt3A_151 = arith.cmpi slt, %add3A_149, %lt3A_150 : i32
      %convert_element_type3A_152 = arith.extui %lt3A_151 : i1 to i32
      %cond3A_153 = arith.constant 0 : i32
      %cond3A_154 = arith.cmpi ne, %convert_element_type3A_152, %cond3A_153 : i32
      scf.if %cond3A_154 {
        %add3A_213 = arith.constant 2 : i32
        %add3A_214 = arith.addi %add3A_129, %add3A_213 : i32
        %mul3A_215 = arith.constant 120 : i32
        %mul3A_216 = arith.muli %add3A_214, %mul3A_215 : i32
        %add3A_217 = arith.addi %mul3A_4, %mul3A_216 : i32
        %dma_start3A_218 = tpu.memref_slice %arg3[%add3A_217] : memref<322560xi32, #tpu.memory_space<hbm>> -> memref<120xi32, #tpu.memory_space<hbm>>
        %dma_start3A_219 = tpu.memref_slice %arg3[%add3A_217] : memref<322560xi32, #tpu.memory_space<hbm>> -> memref<120xi32, #tpu.memory_space<hbm>>
        tpu.enqueue_dma source(%dma_start3A_219 : memref<120xi32, #tpu.memory_space<hbm>>) target(%arg13 : memref<120xi32, #tpu.memory_space<vmem>>) target_semaphore(%arg25 : memref<!tpu.dma_semaphore, #tpu.memory_space<semaphore_mem>>)
        %mul3A_220 = arith.constant 120 : i32
        %mul3A_221 = arith.muli %add3A_214, %mul3A_220 : i32
        %add3A_222 = arith.addi %mul3A_4, %mul3A_221 : i32
        %dma_start3A_223 = tpu.memref_slice %arg4[%add3A_222] : memref<322560xi32, #tpu.memory_space<hbm>> -> memref<120xi32, #tpu.memory_space<hbm>>
        %dma_start3A_224 = tpu.memref_slice %arg4[%add3A_222] : memref<322560xi32, #tpu.memory_space<hbm>> -> memref<120xi32, #tpu.memory_space<hbm>>
        tpu.enqueue_dma source(%dma_start3A_224 : memref<120xi32, #tpu.memory_space<hbm>>) target(%arg19 : memref<120xi32, #tpu.memory_space<vmem>>) target_semaphore(%arg25 : memref<!tpu.dma_semaphore, #tpu.memory_space<semaphore_mem>>)
      } else {
      }
      %mul3A_155 = arith.constant 6 : i32
      %mul3A_156 = arith.muli %scan3A_42, %mul3A_155 : i32
      %add3A_157 = arith.constant 4 : i32
      %add3A_158 = arith.addi %mul3A_156, %add3A_157 : i32
      %ge3A_159 = arith.constant 2 : i32
      %ge3A_160 = arith.cmpi sge, %add3A_158, %ge3A_159 : i32
      %convert_element_type3A_161 = arith.extui %ge3A_160 : i1 to i32
      %cond3A_162 = arith.constant 0 : i32
      %cond3A_163 = arith.cmpi ne, %convert_element_type3A_161, %cond3A_162 : i32
      scf.if %cond3A_163 {
        %dma_wait3A_213 = arith.constant 0 : i32
        %dma_wait3A_214 = arith.constant 0 : i32
        %dma_wait3A_215 = tpu.memref_slice %arg7[%dma_wait3A_213, %dma_wait3A_214] : memref<10240x128xf32, #tpu.memory_space<vmem_shared>> -> memref<10240x128xf32, #tpu.memory_space<vmem_shared>>
        tpu.wait_indirect_dma semaphore(%arg34 : memref<!tpu.dma_semaphore, #tpu.memory_space<semaphore_mem>>) src(%arg28 : memref<120x128xf32, #tpu.memory_space<vmem>>) dst(%dma_wait3A_215 : memref<10240x128xf32, #tpu.memory_space<vmem_shared>>)
      } else {
      }
      %add3A_164 = arith.constant 1 : i32
      %add3A_165 = arith.addi %add3A_158, %add3A_164 : i32
      %lt3A_166 = arith.constant 84 : i32
      %lt3A_167 = arith.cmpi slt, %add3A_165, %lt3A_166 : i32
      %convert_element_type3A_168 = arith.extui %lt3A_167 : i1 to i32
      %cond3A_169 = arith.constant 0 : i32
      %cond3A_170 = arith.cmpi ne, %convert_element_type3A_168, %cond3A_169 : i32
      scf.if %cond3A_170 {
        %dma_wait3A_213 = tpu.memref_slice %arg3[%mul3A_4] : memref<322560xi32, #tpu.memory_space<hbm>> -> memref<120xi32, #tpu.memory_space<hbm>>
        %dma_wait3A_214 = tpu.memref_slice %arg3[%mul3A_4] : memref<322560xi32, #tpu.memory_space<hbm>> -> memref<120xi32, #tpu.memory_space<hbm>>
        tpu.wait_dma2 semaphore(%arg25 : memref<!tpu.dma_semaphore, #tpu.memory_space<semaphore_mem>>) src(%dma_wait3A_214 : memref<120xi32, #tpu.memory_space<hbm>>) dst(%arg13 : memref<120xi32, #tpu.memory_space<vmem>>)
        %dma_wait3A_215 = tpu.memref_slice %arg4[%mul3A_4] : memref<322560xi32, #tpu.memory_space<hbm>> -> memref<120xi32, #tpu.memory_space<hbm>>
        %dma_wait3A_216 = tpu.memref_slice %arg4[%mul3A_4] : memref<322560xi32, #tpu.memory_space<hbm>> -> memref<120xi32, #tpu.memory_space<hbm>>
        tpu.wait_dma2 semaphore(%arg25 : memref<!tpu.dma_semaphore, #tpu.memory_space<semaphore_mem>>) src(%dma_wait3A_216 : memref<120xi32, #tpu.memory_space<hbm>>) dst(%arg19 : memref<120xi32, #tpu.memory_space<vmem>>)
        %dma_start3A_217 = arith.constant 0 : i32
        %dma_start3A_218 = arith.constant 0 : i32
        %dma_start3A_219 = tpu.memref_slice %arg2[%dma_start3A_217, %dma_start3A_218] : memref<10240x128xf32, #tpu.memory_space<hbm>> -> memref<10240x128xf32, #tpu.memory_space<hbm>>
        tpu.enqueue_indirect_dma source(%dma_start3A_219 : memref<10240x128xf32, #tpu.memory_space<hbm>>) target(%arg28 : memref<120x128xf32, #tpu.memory_space<vmem>>) offsets(%arg13 : memref<120xi32, #tpu.memory_space<vmem>>) semaphore(%arg31 : memref<!tpu.dma_semaphore, #tpu.memory_space<semaphore_mem>>)
      } else {
      }
      %dma_wait3A_171 = arith.constant 0 : i32
      %dma_wait3A_172 = arith.constant 0 : i32
      %dma_wait3A_173 = tpu.memref_slice %arg2[%dma_wait3A_171, %dma_wait3A_172] : memref<10240x128xf32, #tpu.memory_space<hbm>> -> memref<10240x128xf32, #tpu.memory_space<hbm>>
      tpu.wait_indirect_dma semaphore(%arg30 : memref<!tpu.dma_semaphore, #tpu.memory_space<semaphore_mem>>) src(%dma_wait3A_173 : memref<10240x128xf32, #tpu.memory_space<hbm>>) dst(%arg27 : memref<120x128xf32, #tpu.memory_space<vmem>>)
      %dma_start3A_174 = arith.constant 0 : i32
      %dma_start3A_175 = arith.constant 0 : i32
      %dma_start3A_176 = tpu.memref_slice %arg7[%dma_start3A_174, %dma_start3A_175] : memref<10240x128xf32, #tpu.memory_space<vmem_shared>> -> memref<10240x128xf32, #tpu.memory_space<vmem_shared>>
      tpu.enqueue_indirect_dma source(%arg27 : memref<120x128xf32, #tpu.memory_space<vmem>>) target(%dma_start3A_176 : memref<10240x128xf32, #tpu.memory_space<vmem_shared>>) offsets(%arg18 : memref<120xi32, #tpu.memory_space<vmem>>) semaphore(%arg33 : memref<!tpu.dma_semaphore, #tpu.memory_space<semaphore_mem>>) {add = true}
      %add3A_177 = arith.constant 2 : i32
      %add3A_178 = arith.addi %add3A_158, %add3A_177 : i32
      %lt3A_179 = arith.constant 84 : i32
      %lt3A_180 = arith.cmpi slt, %add3A_178, %lt3A_179 : i32
      %convert_element_type3A_181 = arith.extui %lt3A_180 : i1 to i32
      %cond3A_182 = arith.constant 0 : i32
      %cond3A_183 = arith.cmpi ne, %convert_element_type3A_181, %cond3A_182 : i32
      scf.if %cond3A_183 {
        %add3A_213 = arith.constant 2 : i32
        %add3A_214 = arith.addi %add3A_158, %add3A_213 : i32
        %mul3A_215 = arith.constant 120 : i32
        %mul3A_216 = arith.muli %add3A_214, %mul3A_215 : i32
        %add3A_217 = arith.addi %mul3A_4, %mul3A_216 : i32
        %dma_start3A_218 = tpu.memref_slice %arg3[%add3A_217] : memref<322560xi32, #tpu.memory_space<hbm>> -> memref<120xi32, #tpu.memory_space<hbm>>
        %dma_start3A_219 = tpu.memref_slice %arg3[%add3A_217] : memref<322560xi32, #tpu.memory_space<hbm>> -> memref<120xi32, #tpu.memory_space<hbm>>
        tpu.enqueue_dma source(%dma_start3A_219 : memref<120xi32, #tpu.memory_space<hbm>>) target(%arg8 : memref<120xi32, #tpu.memory_space<vmem>>) target_semaphore(%arg20 : memref<!tpu.dma_semaphore, #tpu.memory_space<semaphore_mem>>)
        %mul3A_220 = arith.constant 120 : i32
        %mul3A_221 = arith.muli %add3A_214, %mul3A_220 : i32
        %add3A_222 = arith.addi %mul3A_4, %mul3A_221 : i32
        %dma_start3A_223 = tpu.memref_slice %arg4[%add3A_222] : memref<322560xi32, #tpu.memory_space<hbm>> -> memref<120xi32, #tpu.memory_space<hbm>>
        %dma_start3A_224 = tpu.memref_slice %arg4[%add3A_222] : memref<322560xi32, #tpu.memory_space<hbm>> -> memref<120xi32, #tpu.memory_space<hbm>>
        tpu.enqueue_dma source(%dma_start3A_224 : memref<120xi32, #tpu.memory_space<hbm>>) target(%arg14 : memref<120xi32, #tpu.memory_space<vmem>>) target_semaphore(%arg20 : memref<!tpu.dma_semaphore, #tpu.memory_space<semaphore_mem>>)
      } else {
      }
      %mul3A_184 = arith.constant 6 : i32
      %mul3A_185 = arith.muli %scan3A_42, %mul3A_184 : i32
      %add3A_186 = arith.constant 5 : i32
      %add3A_187 = arith.addi %mul3A_185, %add3A_186 : i32
      %ge3A_188 = arith.constant 2 : i32
      %ge3A_189 = arith.cmpi sge, %add3A_187, %ge3A_188 : i32
      %convert_element_type3A_190 = arith.extui %ge3A_189 : i1 to i32
      %cond3A_191 = arith.constant 0 : i32
      %cond3A_192 = arith.cmpi ne, %convert_element_type3A_190, %cond3A_191 : i32
      scf.if %cond3A_192 {
        %dma_wait3A_213 = arith.constant 0 : i32
        %dma_wait3A_214 = arith.constant 0 : i32
        %dma_wait3A_215 = tpu.memref_slice %arg7[%dma_wait3A_213, %dma_wait3A_214] : memref<10240x128xf32, #tpu.memory_space<vmem_shared>> -> memref<10240x128xf32, #tpu.memory_space<vmem_shared>>
        tpu.wait_indirect_dma semaphore(%arg32 : memref<!tpu.dma_semaphore, #tpu.memory_space<semaphore_mem>>) src(%arg26 : memref<120x128xf32, #tpu.memory_space<vmem>>) dst(%dma_wait3A_215 : memref<10240x128xf32, #tpu.memory_space<vmem_shared>>)
      } else {
      }
      %add3A_193 = arith.constant 1 : i32
      %add3A_194 = arith.addi %add3A_187, %add3A_193 : i32
      %lt3A_195 = arith.constant 84 : i32
      %lt3A_196 = arith.cmpi slt, %add3A_194, %lt3A_195 : i32
      %convert_element_type3A_197 = arith.extui %lt3A_196 : i1 to i32
      %cond3A_198 = arith.constant 0 : i32
      %cond3A_199 = arith.cmpi ne, %convert_element_type3A_197, %cond3A_198 : i32
      scf.if %cond3A_199 {
        %dma_wait3A_213 = tpu.memref_slice %arg3[%mul3A_4] : memref<322560xi32, #tpu.memory_space<hbm>> -> memref<120xi32, #tpu.memory_space<hbm>>
        %dma_wait3A_214 = tpu.memref_slice %arg3[%mul3A_4] : memref<322560xi32, #tpu.memory_space<hbm>> -> memref<120xi32, #tpu.memory_space<hbm>>
        tpu.wait_dma2 semaphore(%arg20 : memref<!tpu.dma_semaphore, #tpu.memory_space<semaphore_mem>>) src(%dma_wait3A_214 : memref<120xi32, #tpu.memory_space<hbm>>) dst(%arg8 : memref<120xi32, #tpu.memory_space<vmem>>)
        %dma_wait3A_215 = tpu.memref_slice %arg4[%mul3A_4] : memref<322560xi32, #tpu.memory_space<hbm>> -> memref<120xi32, #tpu.memory_space<hbm>>
        %dma_wait3A_216 = tpu.memref_slice %arg4[%mul3A_4] : memref<322560xi32, #tpu.memory_space<hbm>> -> memref<120xi32, #tpu.memory_space<hbm>>
        tpu.wait_dma2 semaphore(%arg20 : memref<!tpu.dma_semaphore, #tpu.memory_space<semaphore_mem>>) src(%dma_wait3A_216 : memref<120xi32, #tpu.memory_space<hbm>>) dst(%arg14 : memref<120xi32, #tpu.memory_space<vmem>>)
        %dma_start3A_217 = arith.constant 0 : i32
        %dma_start3A_218 = arith.constant 0 : i32
        %dma_start3A_219 = tpu.memref_slice %arg2[%dma_start3A_217, %dma_start3A_218] : memref<10240x128xf32, #tpu.memory_space<hbm>> -> memref<10240x128xf32, #tpu.memory_space<hbm>>
        tpu.enqueue_indirect_dma source(%dma_start3A_219 : memref<10240x128xf32, #tpu.memory_space<hbm>>) target(%arg26 : memref<120x128xf32, #tpu.memory_space<vmem>>) offsets(%arg8 : memref<120xi32, #tpu.memory_space<vmem>>) semaphore(%arg29 : memref<!tpu.dma_semaphore, #tpu.memory_space<semaphore_mem>>)
      } else {
      }
      %dma_wait3A_200 = arith.constant 0 : i32
      %dma_wait3A_201 = arith.constant 0 : i32
      %dma_wait3A_202 = tpu.memref_slice %arg2[%dma_wait3A_200, %dma_wait3A_201] : memref<10240x128xf32, #tpu.memory_space<hbm>> -> memref<10240x128xf32, #tpu.memory_space<hbm>>
      tpu.wait_indirect_dma semaphore(%arg31 : memref<!tpu.dma_semaphore, #tpu.memory_space<semaphore_mem>>) src(%dma_wait3A_202 : memref<10240x128xf32, #tpu.memory_space<hbm>>) dst(%arg28 : memref<120x128xf32, #tpu.memory_space<vmem>>)
      %dma_start3A_203 = arith.constant 0 : i32
      %dma_start3A_204 = arith.constant 0 : i32
      %dma_start3A_205 = tpu.memref_slice %arg7[%dma_start3A_203, %dma_start3A_204] : memref<10240x128xf32, #tpu.memory_space<vmem_shared>> -> memref<10240x128xf32, #tpu.memory_space<vmem_shared>>
      tpu.enqueue_indirect_dma source(%arg28 : memref<120x128xf32, #tpu.memory_space<vmem>>) target(%dma_start3A_205 : memref<10240x128xf32, #tpu.memory_space<vmem_shared>>) offsets(%arg19 : memref<120xi32, #tpu.memory_space<vmem>>) semaphore(%arg34 : memref<!tpu.dma_semaphore, #tpu.memory_space<semaphore_mem>>) {add = true}
      %add3A_206 = arith.constant 2 : i32
      %add3A_207 = arith.addi %add3A_187, %add3A_206 : i32
      %lt3A_208 = arith.constant 84 : i32
      %lt3A_209 = arith.cmpi slt, %add3A_207, %lt3A_208 : i32
      %convert_element_type3A_210 = arith.extui %lt3A_209 : i1 to i32
      %cond3A_211 = arith.constant 0 : i32
      %cond3A_212 = arith.cmpi ne, %convert_element_type3A_210, %cond3A_211 : i32
      scf.if %cond3A_212 {
        %add3A_213 = arith.constant 2 : i32
        %add3A_214 = arith.addi %add3A_187, %add3A_213 : i32
        %mul3A_215 = arith.constant 120 : i32
        %mul3A_216 = arith.muli %add3A_214, %mul3A_215 : i32
        %add3A_217 = arith.addi %mul3A_4, %mul3A_216 : i32
        %dma_start3A_218 = tpu.memref_slice %arg3[%add3A_217] : memref<322560xi32, #tpu.memory_space<hbm>> -> memref<120xi32, #tpu.memory_space<hbm>>
        %dma_start3A_219 = tpu.memref_slice %arg3[%add3A_217] : memref<322560xi32, #tpu.memory_space<hbm>> -> memref<120xi32, #tpu.memory_space<hbm>>
        tpu.enqueue_dma source(%dma_start3A_219 : memref<120xi32, #tpu.memory_space<hbm>>) target(%arg9 : memref<120xi32, #tpu.memory_space<vmem>>) target_semaphore(%arg21 : memref<!tpu.dma_semaphore, #tpu.memory_space<semaphore_mem>>)
        %mul3A_220 = arith.constant 120 : i32
        %mul3A_221 = arith.muli %add3A_214, %mul3A_220 : i32
        %add3A_222 = arith.addi %mul3A_4, %mul3A_221 : i32
        %dma_start3A_223 = tpu.memref_slice %arg4[%add3A_222] : memref<322560xi32, #tpu.memory_space<hbm>> -> memref<120xi32, #tpu.memory_space<hbm>>
        %dma_start3A_224 = tpu.memref_slice %arg4[%add3A_222] : memref<322560xi32, #tpu.memory_space<hbm>> -> memref<120xi32, #tpu.memory_space<hbm>>
        tpu.enqueue_dma source(%dma_start3A_224 : memref<120xi32, #tpu.memory_space<hbm>>) target(%arg15 : memref<120xi32, #tpu.memory_space<vmem>>) target_semaphore(%arg21 : memref<!tpu.dma_semaphore, #tpu.memory_space<semaphore_mem>>)
      } else {
      }
    }
    %scan3A_30 = arith.constant 14 : i32
    %dma_wait3A_31 = arith.constant 0 : i32
    %dma_wait3A_32 = arith.constant 0 : i32
    %dma_wait3A_33 = tpu.memref_slice %arg7[%dma_wait3A_31, %dma_wait3A_32] : memref<10240x128xf32, #tpu.memory_space<vmem_shared>> -> memref<10240x128xf32, #tpu.memory_space<vmem_shared>>
    tpu.wait_indirect_dma semaphore(%arg33 : memref<!tpu.dma_semaphore, #tpu.memory_space<semaphore_mem>>) src(%arg27 : memref<120x128xf32, #tpu.memory_space<vmem>>) dst(%dma_wait3A_33 : memref<10240x128xf32, #tpu.memory_space<vmem_shared>>)
    %dma_wait3A_34 = arith.constant 0 : i32
    %dma_wait3A_35 = arith.constant 0 : i32
    %dma_wait3A_36 = tpu.memref_slice %arg7[%dma_wait3A_34, %dma_wait3A_35] : memref<10240x128xf32, #tpu.memory_space<vmem_shared>> -> memref<10240x128xf32, #tpu.memory_space<vmem_shared>>
    tpu.wait_indirect_dma semaphore(%arg34 : memref<!tpu.dma_semaphore, #tpu.memory_space<semaphore_mem>>) src(%arg28 : memref<120x128xf32, #tpu.memory_space<vmem>>) dst(%dma_wait3A_36 : memref<10240x128xf32, #tpu.memory_space<vmem_shared>>)
    %barrier3A_37 = arith.constant 0 : index
    tpu.barrier barrier_id(%barrier3A_37)
    %mul3A_38 = arith.constant 640 : i32
    %mul3A_39 = arith.muli %arg1, %mul3A_38 : i32
    %mul3A_40 = arith.constant 640 : i32
    %mul3A_41 = arith.muli %arg1, %mul3A_40 : i32
    "tpu.region"() ({
      %run_scoped3A = tpu.sem_alloc : memref<!tpu.dma_semaphore, #tpu.memory_space<semaphore_mem>>
      %dma_start3A_42 = arith.constant 0 : i32
      %dma_start3A_43 = tpu.memref_slice %arg6[%arg0, %mul3A_41, %dma_start3A_42] : memref<2x10240x128xf32, #tpu.memory_space<hbm>> -> memref<1x640x128xf32, #tpu.memory_space<hbm>>
      %dma_start3A_44 = tpu.memref_squeeze %dma_start3A_43 : memref<1x640x128xf32, #tpu.memory_space<hbm>> -> memref<640x128xf32, #tpu.memory_space<hbm>>
      %dma_start3A_45 = arith.constant 0 : i32
      %dma_start3A_46 = tpu.memref_slice %arg7[%mul3A_39, %dma_start3A_45] : memref<10240x128xf32, #tpu.memory_space<vmem_shared>> -> memref<640x128xf32, #tpu.memory_space<vmem_shared>>
      tpu.enqueue_dma source(%dma_start3A_46 : memref<640x128xf32, #tpu.memory_space<vmem_shared>>) target(%dma_start3A_44 : memref<640x128xf32, #tpu.memory_space<hbm>>) target_semaphore(%run_scoped3A : memref<!tpu.dma_semaphore, #tpu.memory_space<semaphore_mem>>)
      %dma_wait3A_47 = arith.constant 0 : i32
      %dma_wait3A_48 = tpu.memref_slice %arg6[%arg0, %mul3A_41, %dma_wait3A_47] : memref<2x10240x128xf32, #tpu.memory_space<hbm>> -> memref<1x640x128xf32, #tpu.memory_space<hbm>>
      %dma_wait3A_49 = tpu.memref_squeeze %dma_wait3A_48 : memref<1x640x128xf32, #tpu.memory_space<hbm>> -> memref<640x128xf32, #tpu.memory_space<hbm>>
      %dma_wait3A_50 = arith.constant 0 : i32
      %dma_wait3A_51 = tpu.memref_slice %arg7[%mul3A_39, %dma_wait3A_50] : memref<10240x128xf32, #tpu.memory_space<vmem_shared>> -> memref<640x128xf32, #tpu.memory_space<vmem_shared>>
      tpu.wait_dma2 semaphore(%run_scoped3A : memref<!tpu.dma_semaphore, #tpu.memory_space<semaphore_mem>>) src(%dma_wait3A_51 : memref<640x128xf32, #tpu.memory_space<vmem_shared>>) dst(%dma_wait3A_49 : memref<640x128xf32, #tpu.memory_space<hbm>>)
      tpu.yield
    }) : () -> ()
    return
  }
}

#map = affine_map<(d0, d1) -> (0, 0)>
#map1 = affine_map<(d0, d1) -> (0)>
#map2 = affine_map<(d0, d1) -> (0, 0, 0)>
module attributes {stable_mosaic.version = 14 : i64} {
  func.func @_spmm_body(%arg0: i32, %arg1: i32, %arg2: memref<10240x128xf32, #tpu.memory_space<hbm>>, %arg3: memref<322560xi32, #tpu.memory_space<hbm>>, %arg4: memref<322560xi32, #tpu.memory_space<hbm>>, %arg5: memref<640x128xf32, #tpu.memory_space<hbm>>, %arg6: memref<2x10240x128xf32, #tpu.memory_space<hbm>>, %arg7: memref<10240x128xf32, #tpu.memory_space<vmem_shared>>, %arg8: memref<120xi32, #tpu.memory_space<vmem>>, %arg9: memref<120xi32, #tpu.memory_space<vmem>>, %arg10: memref<120xi32, #tpu.memory_space<vmem>>, %arg11: memref<120xi32, #tpu.memory_space<vmem>>, %arg12: memref<120xi32, #tpu.memory_space<vmem>>, %arg13: memref<120xi32, #tpu.memory_space<vmem>>, %arg14: memref<120xi32, #tpu.memory_space<vmem>>, %arg15: memref<120xi32, #tpu.memory_space<vmem>>, %arg16: memref<120xi32, #tpu.memory_space<vmem>>, %arg17: memref<120xi32, #tpu.memory_space<vmem>>, %arg18: memref<120xi32, #tpu.memory_space<vmem>>, %arg19: memref<120xi32, #tpu.memory_space<vmem>>, %arg20: memref<!tpu.dma_semaphore, #tpu.memory_space<semaphore_mem>>, %arg21: memref<!tpu.dma_semaphore, #tpu.memory_space<semaphore_mem>>, %arg22: memref<!tpu.dma_semaphore, #tpu.memory_space<semaphore_mem>>, %arg23: memref<!tpu.dma_semaphore, #tpu.memory_space<semaphore_mem>>, %arg24: memref<!tpu.dma_semaphore, #tpu.memory_space<semaphore_mem>>, %arg25: memref<!tpu.dma_semaphore, #tpu.memory_space<semaphore_mem>>, %arg26: memref<120x128xf32, #tpu.memory_space<vmem>>, %arg27: memref<120x128xf32, #tpu.memory_space<vmem>>, %arg28: memref<120x128xf32, #tpu.memory_space<vmem>>, %arg29: memref<!tpu.dma_semaphore, #tpu.memory_space<semaphore_mem>>, %arg30: memref<!tpu.dma_semaphore, #tpu.memory_space<semaphore_mem>>, %arg31: memref<!tpu.dma_semaphore, #tpu.memory_space<semaphore_mem>>, %arg32: memref<!tpu.dma_semaphore, #tpu.memory_space<semaphore_mem>>, %arg33: memref<!tpu.dma_semaphore, #tpu.memory_space<semaphore_mem>>, %arg34: memref<!tpu.dma_semaphore, #tpu.memory_space<semaphore_mem>>) attributes {dimension_semantics = [#tpu.dimension_semantics<core_parallel>, #tpu.dimension_semantics<subcore_parallel>], iteration_bounds = array<i64: 2, 16>, scalar_prefetch = 0 : i64, scratch_operands = 28 : i64, tpu.core_type = #tpu.core_type<sc_vector_subcore>, window_params = [{transform_indices = #map}, {transform_indices = #map1}, {transform_indices = #map1}, {transform_indices = #map}, {transform_indices = #map2}]} {
    %mul3A = arith.constant 16 : i32
    %mul3A_0 = arith.muli %arg0, %mul3A : i32
    %add3A = arith.addi %mul3A_0, %arg1 : i32
    %mul3A_1 = arith.constant 640 : i32
    %mul3A_2 = arith.muli %arg1, %mul3A_1 : i32
    "tpu.region"() ({
      %run_scoped3A = tpu.sem_alloc : memref<!tpu.dma_semaphore, #tpu.memory_space<semaphore_mem>>
      %dma_start3A_42 = arith.constant 0 : i32
      %dma_start3A_43 = tpu.memref_slice %arg7[%mul3A_2, %dma_start3A_42] : memref<10240x128xf32, #tpu.memory_space<vmem_shared>> -> memref<640x128xf32, #tpu.memory_space<vmem_shared>>
      tpu.enqueue_dma source(%arg5 : memref<640x128xf32, #tpu.memory_space<hbm>>) target(%dma_start3A_43 : memref<640x128xf32, #tpu.memory_space<vmem_shared>>) target_semaphore(%run_scoped3A : memref<!tpu.dma_semaphore, #tpu.memory_space<semaphore_mem>>)
      %dma_wait3A_44 = arith.constant 0 : i32
      %dma_wait3A_45 = tpu.memref_slice %arg7[%mul3A_2, %dma_wait3A_44] : memref<10240x128xf32, #tpu.memory_space<vmem_shared>> -> memref<640x128xf32, #tpu.memory_space<vmem_shared>>
      tpu.wait_dma2 semaphore(%run_scoped3A : memref<!tpu.dma_semaphore, #tpu.memory_space<semaphore_mem>>) src(%arg5 : memref<640x128xf32, #tpu.memory_space<hbm>>) dst(%dma_wait3A_45 : memref<640x128xf32, #tpu.memory_space<vmem_shared>>)
      tpu.yield
    }) : () -> ()
    %barrier3A = arith.constant 0 : index
    tpu.barrier barrier_id(%barrier3A)
    %mul3A_3 = arith.constant 10080 : i32
    %mul3A_4 = arith.muli %add3A, %mul3A_3 : i32
    %add3A_5 = arith.constant 0 : i32
    %add3A_6 = arith.addi %mul3A_4, %add3A_5 : i32
    %dma_start3A = tpu.memref_slice %arg3[%add3A_6] : memref<322560xi32, #tpu.memory_space<hbm>> -> memref<120xi32, #tpu.memory_space<hbm>>
    %dma_start3A_7 = tpu.memref_slice %arg3[%add3A_6] : memref<322560xi32, #tpu.memory_space<hbm>> -> memref<120xi32, #tpu.memory_space<hbm>>
    tpu.enqueue_dma source(%dma_start3A_7 : memref<120xi32, #tpu.memory_space<hbm>>) target(%arg8 : memref<120xi32, #tpu.memory_space<vmem>>) target_semaphore(%arg20 : memref<!tpu.dma_semaphore, #tpu.memory_space<semaphore_mem>>)
    %add3A_8 = arith.constant 0 : i32
    %add3A_9 = arith.addi %mul3A_4, %add3A_8 : i32
    %dma_start3A_10 = tpu.memref_slice %arg4[%add3A_9] : memref<322560xi32, #tpu.memory_space<hbm>> -> memref<120xi32, #tpu.memory_space<hbm>>
    %dma_start3A_11 = tpu.memref_slice %arg4[%add3A_9] : memref<322560xi32, #tpu.memory_space<hbm>> -> memref<120xi32, #tpu.memory_space<hbm>>
    tpu.enqueue_dma source(%dma_start3A_11 : memref<120xi32, #tpu.memory_space<hbm>>) target(%arg14 : memref<120xi32, #tpu.memory_space<vmem>>) target_semaphore(%arg20 : memref<!tpu.dma_semaphore, #tpu.memory_space<semaphore_mem>>)
    %add3A_12 = arith.constant 120 : i32
    %add3A_13 = arith.addi %mul3A_4, %add3A_12 : i32
    %dma_start3A_14 = tpu.memref_slice %arg3[%add3A_13] : memref<322560xi32, #tpu.memory_space<hbm>> -> memref<120xi32, #tpu.memory_space<hbm>>
    %dma_start3A_15 = tpu.memref_slice %arg3[%add3A_13] : memref<322560xi32, #tpu.memory_space<hbm>> -> memref<120xi32, #tpu.memory_space<hbm>>
    tpu.enqueue_dma source(%dma_start3A_15 : memref<120xi32, #tpu.memory_space<hbm>>) target(%arg9 : memref<120xi32, #tpu.memory_space<vmem>>) target_semaphore(%arg21 : memref<!tpu.dma_semaphore, #tpu.memory_space<semaphore_mem>>)
    %add3A_16 = arith.constant 120 : i32
    %add3A_17 = arith.addi %mul3A_4, %add3A_16 : i32
    %dma_start3A_18 = tpu.memref_slice %arg4[%add3A_17] : memref<322560xi32, #tpu.memory_space<hbm>> -> memref<120xi32, #tpu.memory_space<hbm>>
    %dma_start3A_19 = tpu.memref_slice %arg4[%add3A_17] : memref<322560xi32, #tpu.memory_space<hbm>> -> memref<120xi32, #tpu.memory_space<hbm>>
    tpu.enqueue_dma source(%dma_start3A_19 : memref<120xi32, #tpu.memory_space<hbm>>) target(%arg15 : memref<120xi32, #tpu.memory_space<vmem>>) target_semaphore(%arg21 : memref<!tpu.dma_semaphore, #tpu.memory_space<semaphore_mem>>)
    %dma_wait3A = tpu.memref_slice %arg3[%mul3A_4] : memref<322560xi32, #tpu.memory_space<hbm>> -> memref<120xi32, #tpu.memory_space<hbm>>
    %dma_wait3A_20 = tpu.memref_slice %arg3[%mul3A_4] : memref<322560xi32, #tpu.memory_space<hbm>> -> memref<120xi32, #tpu.memory_space<hbm>>
    tpu.wait_dma2 semaphore(%arg20 : memref<!tpu.dma_semaphore, #tpu.memory_space<semaphore_mem>>) src(%dma_wait3A_20 : memref<120xi32, #tpu.memory_space<hbm>>) dst(%arg8 : memref<120xi32, #tpu.memory_space<vmem>>)
    %dma_wait3A_21 = tpu.memref_slice %arg4[%mul3A_4] : memref<322560xi32, #tpu.memory_space<hbm>> -> memref<120xi32, #tpu.memory_space<hbm>>
    %dma_wait3A_22 = tpu.memref_slice %arg4[%mul3A_4] : memref<322560xi32, #tpu.memory_space<hbm>> -> memref<120xi32, #tpu.memory_space<hbm>>
    tpu.wait_dma2 semaphore(%arg20 : memref<!tpu.dma_semaphore, #tpu.memory_space<semaphore_mem>>) src(%dma_wait3A_22 : memref<120xi32, #tpu.memory_space<hbm>>) dst(%arg14 : memref<120xi32, #tpu.memory_space<vmem>>)
    %dma_start3A_23 = arith.constant 0 : i32
    %dma_start3A_24 = arith.constant 0 : i32
    %dma_start3A_25 = tpu.memref_slice %arg2[%dma_start3A_23, %dma_start3A_24] : memref<10240x128xf32, #tpu.memory_space<hbm>> -> memref<10240x128xf32, #tpu.memory_space<hbm>>
    tpu.enqueue_indirect_dma source(%dma_start3A_25 : memref<10240x128xf32, #tpu.memory_space<hbm>>) target(%arg26 : memref<120x128xf32, #tpu.memory_space<vmem>>) offsets(%arg8 : memref<120xi32, #tpu.memory_space<vmem>>) semaphore(%arg29 : memref<!tpu.dma_semaphore, #tpu.memory_space<semaphore_mem>>)
    %scan3A = arith.constant 0 : i32
    %scan3A_26 = arith.constant 0 : i32
    %scan3A_27 = arith.constant 14 : i32
    %scan3A_28 = arith.addi %scan3A_26, %scan3A_27 : i32
    %scan3A_29 = arith.constant 1 : i32
    scf.for %scan3A_42 = %scan3A_26 to %scan3A_28 step %scan3A_29  : i32 {
      %mul3A_43 = arith.constant 6 : i32
      %mul3A_44 = arith.muli %scan3A_42, %mul3A_43 : i32
      %add3A_45 = arith.constant 0 : i32
      %add3A_46 = arith.addi %mul3A_44, %add3A_45 : i32
      %ge3A = arith.constant 2 : i32
      %ge3A_47 = arith.cmpi sge, %add3A_46, %ge3A : i32
      %convert_element_type3A = arith.extui %ge3A_47 : i1 to i32
      %cond3A = arith.constant 0 : i32
      %cond3A_48 = arith.cmpi ne, %convert_element_type3A, %cond3A : i32
      scf.if %cond3A_48 {
        %dma_wait3A_213 = arith.constant 0 : i32
        %dma_wait3A_214 = arith.constant 0 : i32
        %dma_wait3A_215 = tpu.memref_slice %arg7[%dma_wait3A_213, %dma_wait3A_214] : memref<10240x128xf32, #tpu.memory_space<vmem_shared>> -> memref<10240x128xf32, #tpu.memory_space<vmem_shared>>
        tpu.wait_indirect_dma semaphore(%arg33 : memref<!tpu.dma_semaphore, #tpu.memory_space<semaphore_mem>>) src(%arg27 : memref<120x128xf32, #tpu.memory_space<vmem>>) dst(%dma_wait3A_215 : memref<10240x128xf32, #tpu.memory_space<vmem_shared>>)
      } else {
      }
      %add3A_49 = arith.constant 1 : i32
      %add3A_50 = arith.addi %add3A_46, %add3A_49 : i32
      %lt3A = arith.constant 84 : i32
      %lt3A_51 = arith.cmpi slt, %add3A_50, %lt3A : i32
      %convert_element_type3A_52 = arith.extui %lt3A_51 : i1 to i32
      %cond3A_53 = arith.constant 0 : i32
      %cond3A_54 = arith.cmpi ne, %convert_element_type3A_52, %cond3A_53 : i32
      scf.if %cond3A_54 {
        %dma_wait3A_213 = tpu.memref_slice %arg3[%mul3A_4] : memref<322560xi32, #tpu.memory_space<hbm>> -> memref<120xi32, #tpu.memory_space<hbm>>
        %dma_wait3A_214 = tpu.memref_slice %arg3[%mul3A_4] : memref<322560xi32, #tpu.memory_space<hbm>> -> memref<120xi32, #tpu.memory_space<hbm>>
        tpu.wait_dma2 semaphore(%arg21 : memref<!tpu.dma_semaphore, #tpu.memory_space<semaphore_mem>>) src(%dma_wait3A_214 : memref<120xi32, #tpu.memory_space<hbm>>) dst(%arg9 : memref<120xi32, #tpu.memory_space<vmem>>)
        %dma_wait3A_215 = tpu.memref_slice %arg4[%mul3A_4] : memref<322560xi32, #tpu.memory_space<hbm>> -> memref<120xi32, #tpu.memory_space<hbm>>
        %dma_wait3A_216 = tpu.memref_slice %arg4[%mul3A_4] : memref<322560xi32, #tpu.memory_space<hbm>> -> memref<120xi32, #tpu.memory_space<hbm>>
        tpu.wait_dma2 semaphore(%arg21 : memref<!tpu.dma_semaphore, #tpu.memory_space<semaphore_mem>>) src(%dma_wait3A_216 : memref<120xi32, #tpu.memory_space<hbm>>) dst(%arg15 : memref<120xi32, #tpu.memory_space<vmem>>)
        %dma_start3A_217 = arith.constant 0 : i32
        %dma_start3A_218 = arith.constant 0 : i32
        %dma_start3A_219 = tpu.memref_slice %arg2[%dma_start3A_217, %dma_start3A_218] : memref<10240x128xf32, #tpu.memory_space<hbm>> -> memref<10240x128xf32, #tpu.memory_space<hbm>>
        tpu.enqueue_indirect_dma source(%dma_start3A_219 : memref<10240x128xf32, #tpu.memory_space<hbm>>) target(%arg27 : memref<120x128xf32, #tpu.memory_space<vmem>>) offsets(%arg9 : memref<120xi32, #tpu.memory_space<vmem>>) semaphore(%arg30 : memref<!tpu.dma_semaphore, #tpu.memory_space<semaphore_mem>>)
      } else {
      }
      %dma_wait3A_55 = arith.constant 0 : i32
      %dma_wait3A_56 = arith.constant 0 : i32
      %dma_wait3A_57 = tpu.memref_slice %arg2[%dma_wait3A_55, %dma_wait3A_56] : memref<10240x128xf32, #tpu.memory_space<hbm>> -> memref<10240x128xf32, #tpu.memory_space<hbm>>
      tpu.wait_indirect_dma semaphore(%arg29 : memref<!tpu.dma_semaphore, #tpu.memory_space<semaphore_mem>>) src(%dma_wait3A_57 : memref<10240x128xf32, #tpu.memory_space<hbm>>) dst(%arg26 : memref<120x128xf32, #tpu.memory_space<vmem>>)
      %dma_start3A_58 = arith.constant 0 : i32
      %dma_start3A_59 = arith.constant 0 : i32
      %dma_start3A_60 = tpu.memref_slice %arg7[%dma_start3A_58, %dma_start3A_59] : memref<10240x128xf32, #tpu.memory_space<vmem_shared>> -> memref<10240x128xf32, #tpu.memory_space<vmem_shared>>
      tpu.enqueue_indirect_dma source(%arg26 : memref<120x128xf32, #tpu.memory_space<vmem>>) target(%dma_start3A_60 : memref<10240x128xf32, #tpu.memory_space<vmem_shared>>) offsets(%arg14 : memref<120xi32, #tpu.memory_space<vmem>>) semaphore(%arg32 : memref<!tpu.dma_semaphore, #tpu.memory_space<semaphore_mem>>) {add = true}
      %add3A_61 = arith.constant 2 : i32
      %add3A_62 = arith.addi %add3A_46, %add3A_61 : i32
      %lt3A_63 = arith.constant 84 : i32
      %lt3A_64 = arith.cmpi slt, %add3A_62, %lt3A_63 : i32
      %convert_element_type3A_65 = arith.extui %lt3A_64 : i1 to i32
      %cond3A_66 = arith.constant 0 : i32
      %cond3A_67 = arith.cmpi ne, %convert_element_type3A_65, %cond3A_66 : i32
      scf.if %cond3A_67 {
        %add3A_213 = arith.constant 2 : i32
        %add3A_214 = arith.addi %add3A_46, %add3A_213 : i32
        %mul3A_215 = arith.constant 120 : i32
        %mul3A_216 = arith.muli %add3A_214, %mul3A_215 : i32
        %add3A_217 = arith.addi %mul3A_4, %mul3A_216 : i32
        %dma_start3A_218 = tpu.memref_slice %arg3[%add3A_217] : memref<322560xi32, #tpu.memory_space<hbm>> -> memref<120xi32, #tpu.memory_space<hbm>>
        %dma_start3A_219 = tpu.memref_slice %arg3[%add3A_217] : memref<322560xi32, #tpu.memory_space<hbm>> -> memref<120xi32, #tpu.memory_space<hbm>>
        tpu.enqueue_dma source(%dma_start3A_219 : memref<120xi32, #tpu.memory_space<hbm>>) target(%arg10 : memref<120xi32, #tpu.memory_space<vmem>>) target_semaphore(%arg22 : memref<!tpu.dma_semaphore, #tpu.memory_space<semaphore_mem>>)
        %mul3A_220 = arith.constant 120 : i32
        %mul3A_221 = arith.muli %add3A_214, %mul3A_220 : i32
        %add3A_222 = arith.addi %mul3A_4, %mul3A_221 : i32
        %dma_start3A_223 = tpu.memref_slice %arg4[%add3A_222] : memref<322560xi32, #tpu.memory_space<hbm>> -> memref<120xi32, #tpu.memory_space<hbm>>
        %dma_start3A_224 = tpu.memref_slice %arg4[%add3A_222] : memref<322560xi32, #tpu.memory_space<hbm>> -> memref<120xi32, #tpu.memory_space<hbm>>
        tpu.enqueue_dma source(%dma_start3A_224 : memref<120xi32, #tpu.memory_space<hbm>>) target(%arg16 : memref<120xi32, #tpu.memory_space<vmem>>) target_semaphore(%arg22 : memref<!tpu.dma_semaphore, #tpu.memory_space<semaphore_mem>>)
      } else {
      }
      %mul3A_68 = arith.constant 6 : i32
      %mul3A_69 = arith.muli %scan3A_42, %mul3A_68 : i32
      %add3A_70 = arith.constant 1 : i32
      %add3A_71 = arith.addi %mul3A_69, %add3A_70 : i32
      %ge3A_72 = arith.constant 2 : i32
      %ge3A_73 = arith.cmpi sge, %add3A_71, %ge3A_72 : i32
      %convert_element_type3A_74 = arith.extui %ge3A_73 : i1 to i32
      %cond3A_75 = arith.constant 0 : i32
      %cond3A_76 = arith.cmpi ne, %convert_element_type3A_74, %cond3A_75 : i32
      scf.if %cond3A_76 {
        %dma_wait3A_213 = arith.constant 0 : i32
        %dma_wait3A_214 = arith.constant 0 : i32
        %dma_wait3A_215 = tpu.memref_slice %arg7[%dma_wait3A_213, %dma_wait3A_214] : memref<10240x128xf32, #tpu.memory_space<vmem_shared>> -> memref<10240x128xf32, #tpu.memory_space<vmem_shared>>
        tpu.wait_indirect_dma semaphore(%arg34 : memref<!tpu.dma_semaphore, #tpu.memory_space<semaphore_mem>>) src(%arg28 : memref<120x128xf32, #tpu.memory_space<vmem>>) dst(%dma_wait3A_215 : memref<10240x128xf32, #tpu.memory_space<vmem_shared>>)
      } else {
      }
      %add3A_77 = arith.constant 1 : i32
      %add3A_78 = arith.addi %add3A_71, %add3A_77 : i32
      %lt3A_79 = arith.constant 84 : i32
      %lt3A_80 = arith.cmpi slt, %add3A_78, %lt3A_79 : i32
      %convert_element_type3A_81 = arith.extui %lt3A_80 : i1 to i32
      %cond3A_82 = arith.constant 0 : i32
      %cond3A_83 = arith.cmpi ne, %convert_element_type3A_81, %cond3A_82 : i32
      scf.if %cond3A_83 {
        %dma_wait3A_213 = tpu.memref_slice %arg3[%mul3A_4] : memref<322560xi32, #tpu.memory_space<hbm>> -> memref<120xi32, #tpu.memory_space<hbm>>
        %dma_wait3A_214 = tpu.memref_slice %arg3[%mul3A_4] : memref<322560xi32, #tpu.memory_space<hbm>> -> memref<120xi32, #tpu.memory_space<hbm>>
        tpu.wait_dma2 semaphore(%arg22 : memref<!tpu.dma_semaphore, #tpu.memory_space<semaphore_mem>>) src(%dma_wait3A_214 : memref<120xi32, #tpu.memory_space<hbm>>) dst(%arg10 : memref<120xi32, #tpu.memory_space<vmem>>)
        %dma_wait3A_215 = tpu.memref_slice %arg4[%mul3A_4] : memref<322560xi32, #tpu.memory_space<hbm>> -> memref<120xi32, #tpu.memory_space<hbm>>
        %dma_wait3A_216 = tpu.memref_slice %arg4[%mul3A_4] : memref<322560xi32, #tpu.memory_space<hbm>> -> memref<120xi32, #tpu.memory_space<hbm>>
        tpu.wait_dma2 semaphore(%arg22 : memref<!tpu.dma_semaphore, #tpu.memory_space<semaphore_mem>>) src(%dma_wait3A_216 : memref<120xi32, #tpu.memory_space<hbm>>) dst(%arg16 : memref<120xi32, #tpu.memory_space<vmem>>)
        %dma_start3A_217 = arith.constant 0 : i32
        %dma_start3A_218 = arith.constant 0 : i32
        %dma_start3A_219 = tpu.memref_slice %arg2[%dma_start3A_217, %dma_start3A_218] : memref<10240x128xf32, #tpu.memory_space<hbm>> -> memref<10240x128xf32, #tpu.memory_space<hbm>>
        tpu.enqueue_indirect_dma source(%dma_start3A_219 : memref<10240x128xf32, #tpu.memory_space<hbm>>) target(%arg28 : memref<120x128xf32, #tpu.memory_space<vmem>>) offsets(%arg10 : memref<120xi32, #tpu.memory_space<vmem>>) semaphore(%arg31 : memref<!tpu.dma_semaphore, #tpu.memory_space<semaphore_mem>>)
      } else {
      }
      %dma_wait3A_84 = arith.constant 0 : i32
      %dma_wait3A_85 = arith.constant 0 : i32
      %dma_wait3A_86 = tpu.memref_slice %arg2[%dma_wait3A_84, %dma_wait3A_85] : memref<10240x128xf32, #tpu.memory_space<hbm>> -> memref<10240x128xf32, #tpu.memory_space<hbm>>
      tpu.wait_indirect_dma semaphore(%arg30 : memref<!tpu.dma_semaphore, #tpu.memory_space<semaphore_mem>>) src(%dma_wait3A_86 : memref<10240x128xf32, #tpu.memory_space<hbm>>) dst(%arg27 : memref<120x128xf32, #tpu.memory_space<vmem>>)
      %dma_start3A_87 = arith.constant 0 : i32
      %dma_start3A_88 = arith.constant 0 : i32
      %dma_start3A_89 = tpu.memref_slice %arg7[%dma_start3A_87, %dma_start3A_88] : memref<10240x128xf32, #tpu.memory_space<vmem_shared>> -> memref<10240x128xf32, #tpu.memory_space<vmem_shared>>
      tpu.enqueue_indirect_dma source(%arg27 : memref<120x128xf32, #tpu.memory_space<vmem>>) target(%dma_start3A_89 : memref<10240x128xf32, #tpu.memory_space<vmem_shared>>) offsets(%arg15 : memref<120xi32, #tpu.memory_space<vmem>>) semaphore(%arg33 : memref<!tpu.dma_semaphore, #tpu.memory_space<semaphore_mem>>) {add = true}
      %add3A_90 = arith.constant 2 : i32
      %add3A_91 = arith.addi %add3A_71, %add3A_90 : i32
      %lt3A_92 = arith.constant 84 : i32
      %lt3A_93 = arith.cmpi slt, %add3A_91, %lt3A_92 : i32
      %convert_element_type3A_94 = arith.extui %lt3A_93 : i1 to i32
      %cond3A_95 = arith.constant 0 : i32
      %cond3A_96 = arith.cmpi ne, %convert_element_type3A_94, %cond3A_95 : i32
      scf.if %cond3A_96 {
        %add3A_213 = arith.constant 2 : i32
        %add3A_214 = arith.addi %add3A_71, %add3A_213 : i32
        %mul3A_215 = arith.constant 120 : i32
        %mul3A_216 = arith.muli %add3A_214, %mul3A_215 : i32
        %add3A_217 = arith.addi %mul3A_4, %mul3A_216 : i32
        %dma_start3A_218 = tpu.memref_slice %arg3[%add3A_217] : memref<322560xi32, #tpu.memory_space<hbm>> -> memref<120xi32, #tpu.memory_space<hbm>>
        %dma_start3A_219 = tpu.memref_slice %arg3[%add3A_217] : memref<322560xi32, #tpu.memory_space<hbm>> -> memref<120xi32, #tpu.memory_space<hbm>>
        tpu.enqueue_dma source(%dma_start3A_219 : memref<120xi32, #tpu.memory_space<hbm>>) target(%arg11 : memref<120xi32, #tpu.memory_space<vmem>>) target_semaphore(%arg23 : memref<!tpu.dma_semaphore, #tpu.memory_space<semaphore_mem>>)
        %mul3A_220 = arith.constant 120 : i32
        %mul3A_221 = arith.muli %add3A_214, %mul3A_220 : i32
        %add3A_222 = arith.addi %mul3A_4, %mul3A_221 : i32
        %dma_start3A_223 = tpu.memref_slice %arg4[%add3A_222] : memref<322560xi32, #tpu.memory_space<hbm>> -> memref<120xi32, #tpu.memory_space<hbm>>
        %dma_start3A_224 = tpu.memref_slice %arg4[%add3A_222] : memref<322560xi32, #tpu.memory_space<hbm>> -> memref<120xi32, #tpu.memory_space<hbm>>
        tpu.enqueue_dma source(%dma_start3A_224 : memref<120xi32, #tpu.memory_space<hbm>>) target(%arg17 : memref<120xi32, #tpu.memory_space<vmem>>) target_semaphore(%arg23 : memref<!tpu.dma_semaphore, #tpu.memory_space<semaphore_mem>>)
      } else {
      }
      %mul3A_97 = arith.constant 6 : i32
      %mul3A_98 = arith.muli %scan3A_42, %mul3A_97 : i32
      %add3A_99 = arith.constant 2 : i32
      %add3A_100 = arith.addi %mul3A_98, %add3A_99 : i32
      %ge3A_101 = arith.constant 2 : i32
      %ge3A_102 = arith.cmpi sge, %add3A_100, %ge3A_101 : i32
      %convert_element_type3A_103 = arith.extui %ge3A_102 : i1 to i32
      %cond3A_104 = arith.constant 0 : i32
      %cond3A_105 = arith.cmpi ne, %convert_element_type3A_103, %cond3A_104 : i32
      scf.if %cond3A_105 {
        %dma_wait3A_213 = arith.constant 0 : i32
        %dma_wait3A_214 = arith.constant 0 : i32
        %dma_wait3A_215 = tpu.memref_slice %arg7[%dma_wait3A_213, %dma_wait3A_214] : memref<10240x128xf32, #tpu.memory_space<vmem_shared>> -> memref<10240x128xf32, #tpu.memory_space<vmem_shared>>
        tpu.wait_indirect_dma semaphore(%arg32 : memref<!tpu.dma_semaphore, #tpu.memory_space<semaphore_mem>>) src(%arg26 : memref<120x128xf32, #tpu.memory_space<vmem>>) dst(%dma_wait3A_215 : memref<10240x128xf32, #tpu.memory_space<vmem_shared>>)
      } else {
      }
      %add3A_106 = arith.constant 1 : i32
      %add3A_107 = arith.addi %add3A_100, %add3A_106 : i32
      %lt3A_108 = arith.constant 84 : i32
      %lt3A_109 = arith.cmpi slt, %add3A_107, %lt3A_108 : i32
      %convert_element_type3A_110 = arith.extui %lt3A_109 : i1 to i32
      %cond3A_111 = arith.constant 0 : i32
      %cond3A_112 = arith.cmpi ne, %convert_element_type3A_110, %cond3A_111 : i32
      scf.if %cond3A_112 {
        %dma_wait3A_213 = tpu.memref_slice %arg3[%mul3A_4] : memref<322560xi32, #tpu.memory_space<hbm>> -> memref<120xi32, #tpu.memory_space<hbm>>
        %dma_wait3A_214 = tpu.memref_slice %arg3[%mul3A_4] : memref<322560xi32, #tpu.memory_space<hbm>> -> memref<120xi32, #tpu.memory_space<hbm>>
        tpu.wait_dma2 semaphore(%arg23 : memref<!tpu.dma_semaphore, #tpu.memory_space<semaphore_mem>>) src(%dma_wait3A_214 : memref<120xi32, #tpu.memory_space<hbm>>) dst(%arg11 : memref<120xi32, #tpu.memory_space<vmem>>)
        %dma_wait3A_215 = tpu.memref_slice %arg4[%mul3A_4] : memref<322560xi32, #tpu.memory_space<hbm>> -> memref<120xi32, #tpu.memory_space<hbm>>
        %dma_wait3A_216 = tpu.memref_slice %arg4[%mul3A_4] : memref<322560xi32, #tpu.memory_space<hbm>> -> memref<120xi32, #tpu.memory_space<hbm>>
        tpu.wait_dma2 semaphore(%arg23 : memref<!tpu.dma_semaphore, #tpu.memory_space<semaphore_mem>>) src(%dma_wait3A_216 : memref<120xi32, #tpu.memory_space<hbm>>) dst(%arg17 : memref<120xi32, #tpu.memory_space<vmem>>)
        %dma_start3A_217 = arith.constant 0 : i32
        %dma_start3A_218 = arith.constant 0 : i32
        %dma_start3A_219 = tpu.memref_slice %arg2[%dma_start3A_217, %dma_start3A_218] : memref<10240x128xf32, #tpu.memory_space<hbm>> -> memref<10240x128xf32, #tpu.memory_space<hbm>>
        tpu.enqueue_indirect_dma source(%dma_start3A_219 : memref<10240x128xf32, #tpu.memory_space<hbm>>) target(%arg26 : memref<120x128xf32, #tpu.memory_space<vmem>>) offsets(%arg11 : memref<120xi32, #tpu.memory_space<vmem>>) semaphore(%arg29 : memref<!tpu.dma_semaphore, #tpu.memory_space<semaphore_mem>>)
      } else {
      }
      %dma_wait3A_113 = arith.constant 0 : i32
      %dma_wait3A_114 = arith.constant 0 : i32
      %dma_wait3A_115 = tpu.memref_slice %arg2[%dma_wait3A_113, %dma_wait3A_114] : memref<10240x128xf32, #tpu.memory_space<hbm>> -> memref<10240x128xf32, #tpu.memory_space<hbm>>
      tpu.wait_indirect_dma semaphore(%arg31 : memref<!tpu.dma_semaphore, #tpu.memory_space<semaphore_mem>>) src(%dma_wait3A_115 : memref<10240x128xf32, #tpu.memory_space<hbm>>) dst(%arg28 : memref<120x128xf32, #tpu.memory_space<vmem>>)
      %dma_start3A_116 = arith.constant 0 : i32
      %dma_start3A_117 = arith.constant 0 : i32
      %dma_start3A_118 = tpu.memref_slice %arg7[%dma_start3A_116, %dma_start3A_117] : memref<10240x128xf32, #tpu.memory_space<vmem_shared>> -> memref<10240x128xf32, #tpu.memory_space<vmem_shared>>
      tpu.enqueue_indirect_dma source(%arg28 : memref<120x128xf32, #tpu.memory_space<vmem>>) target(%dma_start3A_118 : memref<10240x128xf32, #tpu.memory_space<vmem_shared>>) offsets(%arg16 : memref<120xi32, #tpu.memory_space<vmem>>) semaphore(%arg34 : memref<!tpu.dma_semaphore, #tpu.memory_space<semaphore_mem>>) {add = true}
      %add3A_119 = arith.constant 2 : i32
      %add3A_120 = arith.addi %add3A_100, %add3A_119 : i32
      %lt3A_121 = arith.constant 84 : i32
      %lt3A_122 = arith.cmpi slt, %add3A_120, %lt3A_121 : i32
      %convert_element_type3A_123 = arith.extui %lt3A_122 : i1 to i32
      %cond3A_124 = arith.constant 0 : i32
      %cond3A_125 = arith.cmpi ne, %convert_element_type3A_123, %cond3A_124 : i32
      scf.if %cond3A_125 {
        %add3A_213 = arith.constant 2 : i32
        %add3A_214 = arith.addi %add3A_100, %add3A_213 : i32
        %mul3A_215 = arith.constant 120 : i32
        %mul3A_216 = arith.muli %add3A_214, %mul3A_215 : i32
        %add3A_217 = arith.addi %mul3A_4, %mul3A_216 : i32
        %dma_start3A_218 = tpu.memref_slice %arg3[%add3A_217] : memref<322560xi32, #tpu.memory_space<hbm>> -> memref<120xi32, #tpu.memory_space<hbm>>
        %dma_start3A_219 = tpu.memref_slice %arg3[%add3A_217] : memref<322560xi32, #tpu.memory_space<hbm>> -> memref<120xi32, #tpu.memory_space<hbm>>
        tpu.enqueue_dma source(%dma_start3A_219 : memref<120xi32, #tpu.memory_space<hbm>>) target(%arg12 : memref<120xi32, #tpu.memory_space<vmem>>) target_semaphore(%arg24 : memref<!tpu.dma_semaphore, #tpu.memory_space<semaphore_mem>>)
        %mul3A_220 = arith.constant 120 : i32
        %mul3A_221 = arith.muli %add3A_214, %mul3A_220 : i32
        %add3A_222 = arith.addi %mul3A_4, %mul3A_221 : i32
        %dma_start3A_223 = tpu.memref_slice %arg4[%add3A_222] : memref<322560xi32, #tpu.memory_space<hbm>> -> memref<120xi32, #tpu.memory_space<hbm>>
        %dma_start3A_224 = tpu.memref_slice %arg4[%add3A_222] : memref<322560xi32, #tpu.memory_space<hbm>> -> memref<120xi32, #tpu.memory_space<hbm>>
        tpu.enqueue_dma source(%dma_start3A_224 : memref<120xi32, #tpu.memory_space<hbm>>) target(%arg18 : memref<120xi32, #tpu.memory_space<vmem>>) target_semaphore(%arg24 : memref<!tpu.dma_semaphore, #tpu.memory_space<semaphore_mem>>)
      } else {
      }
      %mul3A_126 = arith.constant 6 : i32
      %mul3A_127 = arith.muli %scan3A_42, %mul3A_126 : i32
      %add3A_128 = arith.constant 3 : i32
      %add3A_129 = arith.addi %mul3A_127, %add3A_128 : i32
      %ge3A_130 = arith.constant 2 : i32
      %ge3A_131 = arith.cmpi sge, %add3A_129, %ge3A_130 : i32
      %convert_element_type3A_132 = arith.extui %ge3A_131 : i1 to i32
      %cond3A_133 = arith.constant 0 : i32
      %cond3A_134 = arith.cmpi ne, %convert_element_type3A_132, %cond3A_133 : i32
      scf.if %cond3A_134 {
        %dma_wait3A_213 = arith.constant 0 : i32
        %dma_wait3A_214 = arith.constant 0 : i32
        %dma_wait3A_215 = tpu.memref_slice %arg7[%dma_wait3A_213, %dma_wait3A_214] : memref<10240x128xf32, #tpu.memory_space<vmem_shared>> -> memref<10240x128xf32, #tpu.memory_space<vmem_shared>>
        tpu.wait_indirect_dma semaphore(%arg33 : memref<!tpu.dma_semaphore, #tpu.memory_space<semaphore_mem>>) src(%arg27 : memref<120x128xf32, #tpu.memory_space<vmem>>) dst(%dma_wait3A_215 : memref<10240x128xf32, #tpu.memory_space<vmem_shared>>)
      } else {
      }
      %add3A_135 = arith.constant 1 : i32
      %add3A_136 = arith.addi %add3A_129, %add3A_135 : i32
      %lt3A_137 = arith.constant 84 : i32
      %lt3A_138 = arith.cmpi slt, %add3A_136, %lt3A_137 : i32
      %convert_element_type3A_139 = arith.extui %lt3A_138 : i1 to i32
      %cond3A_140 = arith.constant 0 : i32
      %cond3A_141 = arith.cmpi ne, %convert_element_type3A_139, %cond3A_140 : i32
      scf.if %cond3A_141 {
        %dma_wait3A_213 = tpu.memref_slice %arg3[%mul3A_4] : memref<322560xi32, #tpu.memory_space<hbm>> -> memref<120xi32, #tpu.memory_space<hbm>>
        %dma_wait3A_214 = tpu.memref_slice %arg3[%mul3A_4] : memref<322560xi32, #tpu.memory_space<hbm>> -> memref<120xi32, #tpu.memory_space<hbm>>
        tpu.wait_dma2 semaphore(%arg24 : memref<!tpu.dma_semaphore, #tpu.memory_space<semaphore_mem>>) src(%dma_wait3A_214 : memref<120xi32, #tpu.memory_space<hbm>>) dst(%arg12 : memref<120xi32, #tpu.memory_space<vmem>>)
        %dma_wait3A_215 = tpu.memref_slice %arg4[%mul3A_4] : memref<322560xi32, #tpu.memory_space<hbm>> -> memref<120xi32, #tpu.memory_space<hbm>>
        %dma_wait3A_216 = tpu.memref_slice %arg4[%mul3A_4] : memref<322560xi32, #tpu.memory_space<hbm>> -> memref<120xi32, #tpu.memory_space<hbm>>
        tpu.wait_dma2 semaphore(%arg24 : memref<!tpu.dma_semaphore, #tpu.memory_space<semaphore_mem>>) src(%dma_wait3A_216 : memref<120xi32, #tpu.memory_space<hbm>>) dst(%arg18 : memref<120xi32, #tpu.memory_space<vmem>>)
        %dma_start3A_217 = arith.constant 0 : i32
        %dma_start3A_218 = arith.constant 0 : i32
        %dma_start3A_219 = tpu.memref_slice %arg2[%dma_start3A_217, %dma_start3A_218] : memref<10240x128xf32, #tpu.memory_space<hbm>> -> memref<10240x128xf32, #tpu.memory_space<hbm>>
        tpu.enqueue_indirect_dma source(%dma_start3A_219 : memref<10240x128xf32, #tpu.memory_space<hbm>>) target(%arg27 : memref<120x128xf32, #tpu.memory_space<vmem>>) offsets(%arg12 : memref<120xi32, #tpu.memory_space<vmem>>) semaphore(%arg30 : memref<!tpu.dma_semaphore, #tpu.memory_space<semaphore_mem>>)
      } else {
      }
      %dma_wait3A_142 = arith.constant 0 : i32
      %dma_wait3A_143 = arith.constant 0 : i32
      %dma_wait3A_144 = tpu.memref_slice %arg2[%dma_wait3A_142, %dma_wait3A_143] : memref<10240x128xf32, #tpu.memory_space<hbm>> -> memref<10240x128xf32, #tpu.memory_space<hbm>>
      tpu.wait_indirect_dma semaphore(%arg29 : memref<!tpu.dma_semaphore, #tpu.memory_space<semaphore_mem>>) src(%dma_wait3A_144 : memref<10240x128xf32, #tpu.memory_space<hbm>>) dst(%arg26 : memref<120x128xf32, #tpu.memory_space<vmem>>)
      %dma_start3A_145 = arith.constant 0 : i32
      %dma_start3A_146 = arith.constant 0 : i32
      %dma_start3A_147 = tpu.memref_slice %arg7[%dma_start3A_145, %dma_start3A_146] : memref<10240x128xf32, #tpu.memory_space<vmem_shared>> -> memref<10240x128xf32, #tpu.memory_space<vmem_shared>>
      tpu.enqueue_indirect_dma source(%arg26 : memref<120x128xf32, #tpu.memory_space<vmem>>) target(%dma_start3A_147 : memref<10240x128xf32, #tpu.memory_space<vmem_shared>>) offsets(%arg17 : memref<120xi32, #tpu.memory_space<vmem>>) semaphore(%arg32 : memref<!tpu.dma_semaphore, #tpu.memory_space<semaphore_mem>>) {add = true}
      %add3A_148 = arith.constant 2 : i32
      %add3A_149 = arith.addi %add3A_129, %add3A_148 : i32
      %lt3A_150 = arith.constant 84 : i32
      %lt3A_151 = arith.cmpi slt, %add3A_149, %lt3A_150 : i32
      %convert_element_type3A_152 = arith.extui %lt3A_151 : i1 to i32
      %cond3A_153 = arith.constant 0 : i32
      %cond3A_154 = arith.cmpi ne, %convert_element_type3A_152, %cond3A_153 : i32
      scf.if %cond3A_154 {
        %add3A_213 = arith.constant 2 : i32
        %add3A_214 = arith.addi %add3A_129, %add3A_213 : i32
        %mul3A_215 = arith.constant 120 : i32
        %mul3A_216 = arith.muli %add3A_214, %mul3A_215 : i32
        %add3A_217 = arith.addi %mul3A_4, %mul3A_216 : i32
        %dma_start3A_218 = tpu.memref_slice %arg3[%add3A_217] : memref<322560xi32, #tpu.memory_space<hbm>> -> memref<120xi32, #tpu.memory_space<hbm>>
        %dma_start3A_219 = tpu.memref_slice %arg3[%add3A_217] : memref<322560xi32, #tpu.memory_space<hbm>> -> memref<120xi32, #tpu.memory_space<hbm>>
        tpu.enqueue_dma source(%dma_start3A_219 : memref<120xi32, #tpu.memory_space<hbm>>) target(%arg13 : memref<120xi32, #tpu.memory_space<vmem>>) target_semaphore(%arg25 : memref<!tpu.dma_semaphore, #tpu.memory_space<semaphore_mem>>)
        %mul3A_220 = arith.constant 120 : i32
        %mul3A_221 = arith.muli %add3A_214, %mul3A_220 : i32
        %add3A_222 = arith.addi %mul3A_4, %mul3A_221 : i32
        %dma_start3A_223 = tpu.memref_slice %arg4[%add3A_222] : memref<322560xi32, #tpu.memory_space<hbm>> -> memref<120xi32, #tpu.memory_space<hbm>>
        %dma_start3A_224 = tpu.memref_slice %arg4[%add3A_222] : memref<322560xi32, #tpu.memory_space<hbm>> -> memref<120xi32, #tpu.memory_space<hbm>>
        tpu.enqueue_dma source(%dma_start3A_224 : memref<120xi32, #tpu.memory_space<hbm>>) target(%arg19 : memref<120xi32, #tpu.memory_space<vmem>>) target_semaphore(%arg25 : memref<!tpu.dma_semaphore, #tpu.memory_space<semaphore_mem>>)
      } else {
      }
      %mul3A_155 = arith.constant 6 : i32
      %mul3A_156 = arith.muli %scan3A_42, %mul3A_155 : i32
      %add3A_157 = arith.constant 4 : i32
      %add3A_158 = arith.addi %mul3A_156, %add3A_157 : i32
      %ge3A_159 = arith.constant 2 : i32
      %ge3A_160 = arith.cmpi sge, %add3A_158, %ge3A_159 : i32
      %convert_element_type3A_161 = arith.extui %ge3A_160 : i1 to i32
      %cond3A_162 = arith.constant 0 : i32
      %cond3A_163 = arith.cmpi ne, %convert_element_type3A_161, %cond3A_162 : i32
      scf.if %cond3A_163 {
        %dma_wait3A_213 = arith.constant 0 : i32
        %dma_wait3A_214 = arith.constant 0 : i32
        %dma_wait3A_215 = tpu.memref_slice %arg7[%dma_wait3A_213, %dma_wait3A_214] : memref<10240x128xf32, #tpu.memory_space<vmem_shared>> -> memref<10240x128xf32, #tpu.memory_space<vmem_shared>>
        tpu.wait_indirect_dma semaphore(%arg34 : memref<!tpu.dma_semaphore, #tpu.memory_space<semaphore_mem>>) src(%arg28 : memref<120x128xf32, #tpu.memory_space<vmem>>) dst(%dma_wait3A_215 : memref<10240x128xf32, #tpu.memory_space<vmem_shared>>)
      } else {
      }
      %add3A_164 = arith.constant 1 : i32
      %add3A_165 = arith.addi %add3A_158, %add3A_164 : i32
      %lt3A_166 = arith.constant 84 : i32
      %lt3A_167 = arith.cmpi slt, %add3A_165, %lt3A_166 : i32
      %convert_element_type3A_168 = arith.extui %lt3A_167 : i1 to i32
      %cond3A_169 = arith.constant 0 : i32
      %cond3A_170 = arith.cmpi ne, %convert_element_type3A_168, %cond3A_169 : i32
      scf.if %cond3A_170 {
        %dma_wait3A_213 = tpu.memref_slice %arg3[%mul3A_4] : memref<322560xi32, #tpu.memory_space<hbm>> -> memref<120xi32, #tpu.memory_space<hbm>>
        %dma_wait3A_214 = tpu.memref_slice %arg3[%mul3A_4] : memref<322560xi32, #tpu.memory_space<hbm>> -> memref<120xi32, #tpu.memory_space<hbm>>
        tpu.wait_dma2 semaphore(%arg25 : memref<!tpu.dma_semaphore, #tpu.memory_space<semaphore_mem>>) src(%dma_wait3A_214 : memref<120xi32, #tpu.memory_space<hbm>>) dst(%arg13 : memref<120xi32, #tpu.memory_space<vmem>>)
        %dma_wait3A_215 = tpu.memref_slice %arg4[%mul3A_4] : memref<322560xi32, #tpu.memory_space<hbm>> -> memref<120xi32, #tpu.memory_space<hbm>>
        %dma_wait3A_216 = tpu.memref_slice %arg4[%mul3A_4] : memref<322560xi32, #tpu.memory_space<hbm>> -> memref<120xi32, #tpu.memory_space<hbm>>
        tpu.wait_dma2 semaphore(%arg25 : memref<!tpu.dma_semaphore, #tpu.memory_space<semaphore_mem>>) src(%dma_wait3A_216 : memref<120xi32, #tpu.memory_space<hbm>>) dst(%arg19 : memref<120xi32, #tpu.memory_space<vmem>>)
        %dma_start3A_217 = arith.constant 0 : i32
        %dma_start3A_218 = arith.constant 0 : i32
        %dma_start3A_219 = tpu.memref_slice %arg2[%dma_start3A_217, %dma_start3A_218] : memref<10240x128xf32, #tpu.memory_space<hbm>> -> memref<10240x128xf32, #tpu.memory_space<hbm>>
        tpu.enqueue_indirect_dma source(%dma_start3A_219 : memref<10240x128xf32, #tpu.memory_space<hbm>>) target(%arg28 : memref<120x128xf32, #tpu.memory_space<vmem>>) offsets(%arg13 : memref<120xi32, #tpu.memory_space<vmem>>) semaphore(%arg31 : memref<!tpu.dma_semaphore, #tpu.memory_space<semaphore_mem>>)
      } else {
      }
      %dma_wait3A_171 = arith.constant 0 : i32
      %dma_wait3A_172 = arith.constant 0 : i32
      %dma_wait3A_173 = tpu.memref_slice %arg2[%dma_wait3A_171, %dma_wait3A_172] : memref<10240x128xf32, #tpu.memory_space<hbm>> -> memref<10240x128xf32, #tpu.memory_space<hbm>>
      tpu.wait_indirect_dma semaphore(%arg30 : memref<!tpu.dma_semaphore, #tpu.memory_space<semaphore_mem>>) src(%dma_wait3A_173 : memref<10240x128xf32, #tpu.memory_space<hbm>>) dst(%arg27 : memref<120x128xf32, #tpu.memory_space<vmem>>)
      %dma_start3A_174 = arith.constant 0 : i32
      %dma_start3A_175 = arith.constant 0 : i32
      %dma_start3A_176 = tpu.memref_slice %arg7[%dma_start3A_174, %dma_start3A_175] : memref<10240x128xf32, #tpu.memory_space<vmem_shared>> -> memref<10240x128xf32, #tpu.memory_space<vmem_shared>>
      tpu.enqueue_indirect_dma source(%arg27 : memref<120x128xf32, #tpu.memory_space<vmem>>) target(%dma_start3A_176 : memref<10240x128xf32, #tpu.memory_space<vmem_shared>>) offsets(%arg18 : memref<120xi32, #tpu.memory_space<vmem>>) semaphore(%arg33 : memref<!tpu.dma_semaphore, #tpu.memory_space<semaphore_mem>>) {add = true}
      %add3A_177 = arith.constant 2 : i32
      %add3A_178 = arith.addi %add3A_158, %add3A_177 : i32
      %lt3A_179 = arith.constant 84 : i32
      %lt3A_180 = arith.cmpi slt, %add3A_178, %lt3A_179 : i32
      %convert_element_type3A_181 = arith.extui %lt3A_180 : i1 to i32
      %cond3A_182 = arith.constant 0 : i32
      %cond3A_183 = arith.cmpi ne, %convert_element_type3A_181, %cond3A_182 : i32
      scf.if %cond3A_183 {
        %add3A_213 = arith.constant 2 : i32
        %add3A_214 = arith.addi %add3A_158, %add3A_213 : i32
        %mul3A_215 = arith.constant 120 : i32
        %mul3A_216 = arith.muli %add3A_214, %mul3A_215 : i32
        %add3A_217 = arith.addi %mul3A_4, %mul3A_216 : i32
        %dma_start3A_218 = tpu.memref_slice %arg3[%add3A_217] : memref<322560xi32, #tpu.memory_space<hbm>> -> memref<120xi32, #tpu.memory_space<hbm>>
        %dma_start3A_219 = tpu.memref_slice %arg3[%add3A_217] : memref<322560xi32, #tpu.memory_space<hbm>> -> memref<120xi32, #tpu.memory_space<hbm>>
        tpu.enqueue_dma source(%dma_start3A_219 : memref<120xi32, #tpu.memory_space<hbm>>) target(%arg8 : memref<120xi32, #tpu.memory_space<vmem>>) target_semaphore(%arg20 : memref<!tpu.dma_semaphore, #tpu.memory_space<semaphore_mem>>)
        %mul3A_220 = arith.constant 120 : i32
        %mul3A_221 = arith.muli %add3A_214, %mul3A_220 : i32
        %add3A_222 = arith.addi %mul3A_4, %mul3A_221 : i32
        %dma_start3A_223 = tpu.memref_slice %arg4[%add3A_222] : memref<322560xi32, #tpu.memory_space<hbm>> -> memref<120xi32, #tpu.memory_space<hbm>>
        %dma_start3A_224 = tpu.memref_slice %arg4[%add3A_222] : memref<322560xi32, #tpu.memory_space<hbm>> -> memref<120xi32, #tpu.memory_space<hbm>>
        tpu.enqueue_dma source(%dma_start3A_224 : memref<120xi32, #tpu.memory_space<hbm>>) target(%arg14 : memref<120xi32, #tpu.memory_space<vmem>>) target_semaphore(%arg20 : memref<!tpu.dma_semaphore, #tpu.memory_space<semaphore_mem>>)
      } else {
      }
      %mul3A_184 = arith.constant 6 : i32
      %mul3A_185 = arith.muli %scan3A_42, %mul3A_184 : i32
      %add3A_186 = arith.constant 5 : i32
      %add3A_187 = arith.addi %mul3A_185, %add3A_186 : i32
      %ge3A_188 = arith.constant 2 : i32
      %ge3A_189 = arith.cmpi sge, %add3A_187, %ge3A_188 : i32
      %convert_element_type3A_190 = arith.extui %ge3A_189 : i1 to i32
      %cond3A_191 = arith.constant 0 : i32
      %cond3A_192 = arith.cmpi ne, %convert_element_type3A_190, %cond3A_191 : i32
      scf.if %cond3A_192 {
        %dma_wait3A_213 = arith.constant 0 : i32
        %dma_wait3A_214 = arith.constant 0 : i32
        %dma_wait3A_215 = tpu.memref_slice %arg7[%dma_wait3A_213, %dma_wait3A_214] : memref<10240x128xf32, #tpu.memory_space<vmem_shared>> -> memref<10240x128xf32, #tpu.memory_space<vmem_shared>>
        tpu.wait_indirect_dma semaphore(%arg32 : memref<!tpu.dma_semaphore, #tpu.memory_space<semaphore_mem>>) src(%arg26 : memref<120x128xf32, #tpu.memory_space<vmem>>) dst(%dma_wait3A_215 : memref<10240x128xf32, #tpu.memory_space<vmem_shared>>)
      } else {
      }
      %add3A_193 = arith.constant 1 : i32
      %add3A_194 = arith.addi %add3A_187, %add3A_193 : i32
      %lt3A_195 = arith.constant 84 : i32
      %lt3A_196 = arith.cmpi slt, %add3A_194, %lt3A_195 : i32
      %convert_element_type3A_197 = arith.extui %lt3A_196 : i1 to i32
      %cond3A_198 = arith.constant 0 : i32
      %cond3A_199 = arith.cmpi ne, %convert_element_type3A_197, %cond3A_198 : i32
      scf.if %cond3A_199 {
        %dma_wait3A_213 = tpu.memref_slice %arg3[%mul3A_4] : memref<322560xi32, #tpu.memory_space<hbm>> -> memref<120xi32, #tpu.memory_space<hbm>>
        %dma_wait3A_214 = tpu.memref_slice %arg3[%mul3A_4] : memref<322560xi32, #tpu.memory_space<hbm>> -> memref<120xi32, #tpu.memory_space<hbm>>
        tpu.wait_dma2 semaphore(%arg20 : memref<!tpu.dma_semaphore, #tpu.memory_space<semaphore_mem>>) src(%dma_wait3A_214 : memref<120xi32, #tpu.memory_space<hbm>>) dst(%arg8 : memref<120xi32, #tpu.memory_space<vmem>>)
        %dma_wait3A_215 = tpu.memref_slice %arg4[%mul3A_4] : memref<322560xi32, #tpu.memory_space<hbm>> -> memref<120xi32, #tpu.memory_space<hbm>>
        %dma_wait3A_216 = tpu.memref_slice %arg4[%mul3A_4] : memref<322560xi32, #tpu.memory_space<hbm>> -> memref<120xi32, #tpu.memory_space<hbm>>
        tpu.wait_dma2 semaphore(%arg20 : memref<!tpu.dma_semaphore, #tpu.memory_space<semaphore_mem>>) src(%dma_wait3A_216 : memref<120xi32, #tpu.memory_space<hbm>>) dst(%arg14 : memref<120xi32, #tpu.memory_space<vmem>>)
        %dma_start3A_217 = arith.constant 0 : i32
        %dma_start3A_218 = arith.constant 0 : i32
        %dma_start3A_219 = tpu.memref_slice %arg2[%dma_start3A_217, %dma_start3A_218] : memref<10240x128xf32, #tpu.memory_space<hbm>> -> memref<10240x128xf32, #tpu.memory_space<hbm>>
        tpu.enqueue_indirect_dma source(%dma_start3A_219 : memref<10240x128xf32, #tpu.memory_space<hbm>>) target(%arg26 : memref<120x128xf32, #tpu.memory_space<vmem>>) offsets(%arg8 : memref<120xi32, #tpu.memory_space<vmem>>) semaphore(%arg29 : memref<!tpu.dma_semaphore, #tpu.memory_space<semaphore_mem>>)
      } else {
      }
      %dma_wait3A_200 = arith.constant 0 : i32
      %dma_wait3A_201 = arith.constant 0 : i32
      %dma_wait3A_202 = tpu.memref_slice %arg2[%dma_wait3A_200, %dma_wait3A_201] : memref<10240x128xf32, #tpu.memory_space<hbm>> -> memref<10240x128xf32, #tpu.memory_space<hbm>>
      tpu.wait_indirect_dma semaphore(%arg31 : memref<!tpu.dma_semaphore, #tpu.memory_space<semaphore_mem>>) src(%dma_wait3A_202 : memref<10240x128xf32, #tpu.memory_space<hbm>>) dst(%arg28 : memref<120x128xf32, #tpu.memory_space<vmem>>)
      %dma_start3A_203 = arith.constant 0 : i32
      %dma_start3A_204 = arith.constant 0 : i32
      %dma_start3A_205 = tpu.memref_slice %arg7[%dma_start3A_203, %dma_start3A_204] : memref<10240x128xf32, #tpu.memory_space<vmem_shared>> -> memref<10240x128xf32, #tpu.memory_space<vmem_shared>>
      tpu.enqueue_indirect_dma source(%arg28 : memref<120x128xf32, #tpu.memory_space<vmem>>) target(%dma_start3A_205 : memref<10240x128xf32, #tpu.memory_space<vmem_shared>>) offsets(%arg19 : memref<120xi32, #tpu.memory_space<vmem>>) semaphore(%arg34 : memref<!tpu.dma_semaphore, #tpu.memory_space<semaphore_mem>>) {add = true}
      %add3A_206 = arith.constant 2 : i32
      %add3A_207 = arith.addi %add3A_187, %add3A_206 : i32
      %lt3A_208 = arith.constant 84 : i32
      %lt3A_209 = arith.cmpi slt, %add3A_207, %lt3A_208 : i32
      %convert_element_type3A_210 = arith.extui %lt3A_209 : i1 to i32
      %cond3A_211 = arith.constant 0 : i32
      %cond3A_212 = arith.cmpi ne, %convert_element_type3A_210, %cond3A_211 : i32
      scf.if %cond3A_212 {
        %add3A_213 = arith.constant 2 : i32
        %add3A_214 = arith.addi %add3A_187, %add3A_213 : i32
        %mul3A_215 = arith.constant 120 : i32
        %mul3A_216 = arith.muli %add3A_214, %mul3A_215 : i32
        %add3A_217 = arith.addi %mul3A_4, %mul3A_216 : i32
        %dma_start3A_218 = tpu.memref_slice %arg3[%add3A_217] : memref<322560xi32, #tpu.memory_space<hbm>> -> memref<120xi32, #tpu.memory_space<hbm>>
        %dma_start3A_219 = tpu.memref_slice %arg3[%add3A_217] : memref<322560xi32, #tpu.memory_space<hbm>> -> memref<120xi32, #tpu.memory_space<hbm>>
        tpu.enqueue_dma source(%dma_start3A_219 : memref<120xi32, #tpu.memory_space<hbm>>) target(%arg9 : memref<120xi32, #tpu.memory_space<vmem>>) target_semaphore(%arg21 : memref<!tpu.dma_semaphore, #tpu.memory_space<semaphore_mem>>)
        %mul3A_220 = arith.constant 120 : i32
        %mul3A_221 = arith.muli %add3A_214, %mul3A_220 : i32
        %add3A_222 = arith.addi %mul3A_4, %mul3A_221 : i32
        %dma_start3A_223 = tpu.memref_slice %arg4[%add3A_222] : memref<322560xi32, #tpu.memory_space<hbm>> -> memref<120xi32, #tpu.memory_space<hbm>>
        %dma_start3A_224 = tpu.memref_slice %arg4[%add3A_222] : memref<322560xi32, #tpu.memory_space<hbm>> -> memref<120xi32, #tpu.memory_space<hbm>>
        tpu.enqueue_dma source(%dma_start3A_224 : memref<120xi32, #tpu.memory_space<hbm>>) target(%arg15 : memref<120xi32, #tpu.memory_space<vmem>>) target_semaphore(%arg21 : memref<!tpu.dma_semaphore, #tpu.memory_space<semaphore_mem>>)
      } else {
      }
    }
    %scan3A_30 = arith.constant 14 : i32
    %dma_wait3A_31 = arith.constant 0 : i32
    %dma_wait3A_32 = arith.constant 0 : i32
    %dma_wait3A_33 = tpu.memref_slice %arg7[%dma_wait3A_31, %dma_wait3A_32] : memref<10240x128xf32, #tpu.memory_space<vmem_shared>> -> memref<10240x128xf32, #tpu.memory_space<vmem_shared>>
    tpu.wait_indirect_dma semaphore(%arg33 : memref<!tpu.dma_semaphore, #tpu.memory_space<semaphore_mem>>) src(%arg27 : memref<120x128xf32, #tpu.memory_space<vmem>>) dst(%dma_wait3A_33 : memref<10240x128xf32, #tpu.memory_space<vmem_shared>>)
    %dma_wait3A_34 = arith.constant 0 : i32
    %dma_wait3A_35 = arith.constant 0 : i32
    %dma_wait3A_36 = tpu.memref_slice %arg7[%dma_wait3A_34, %dma_wait3A_35] : memref<10240x128xf32, #tpu.memory_space<vmem_shared>> -> memref<10240x128xf32, #tpu.memory_space<vmem_shared>>
    tpu.wait_indirect_dma semaphore(%arg34 : memref<!tpu.dma_semaphore, #tpu.memory_space<semaphore_mem>>) src(%arg28 : memref<120x128xf32, #tpu.memory_space<vmem>>) dst(%dma_wait3A_36 : memref<10240x128xf32, #tpu.memory_space<vmem_shared>>)
    %barrier3A_37 = arith.constant 0 : index
    tpu.barrier barrier_id(%barrier3A_37)
    %mul3A_38 = arith.constant 640 : i32
    %mul3A_39 = arith.muli %arg1, %mul3A_38 : i32
    %mul3A_40 = arith.constant 640 : i32
    %mul3A_41 = arith.muli %arg1, %mul3A_40 : i32
    "tpu.region"() ({
      %run_scoped3A = tpu.sem_alloc : memref<!tpu.dma_semaphore, #tpu.memory_space<semaphore_mem>>
      %dma_start3A_42 = arith.constant 0 : i32
      %dma_start3A_43 = tpu.memref_slice %arg6[%arg0, %mul3A_41, %dma_start3A_42] : memref<2x10240x128xf32, #tpu.memory_space<hbm>> -> memref<1x640x128xf32, #tpu.memory_space<hbm>>
      %dma_start3A_44 = tpu.memref_squeeze %dma_start3A_43 : memref<1x640x128xf32, #tpu.memory_space<hbm>> -> memref<640x128xf32, #tpu.memory_space<hbm>>
      %dma_start3A_45 = arith.constant 0 : i32
      %dma_start3A_46 = tpu.memref_slice %arg7[%mul3A_39, %dma_start3A_45] : memref<10240x128xf32, #tpu.memory_space<vmem_shared>> -> memref<640x128xf32, #tpu.memory_space<vmem_shared>>
      tpu.enqueue_dma source(%dma_start3A_46 : memref<640x128xf32, #tpu.memory_space<vmem_shared>>) target(%dma_start3A_44 : memref<640x128xf32, #tpu.memory_space<hbm>>) target_semaphore(%run_scoped3A : memref<!tpu.dma_semaphore, #tpu.memory_space<semaphore_mem>>)
      %dma_wait3A_47 = arith.constant 0 : i32
      %dma_wait3A_48 = tpu.memref_slice %arg6[%arg0, %mul3A_41, %dma_wait3A_47] : memref<2x10240x128xf32, #tpu.memory_space<hbm>> -> memref<1x640x128xf32, #tpu.memory_space<hbm>>
      %dma_wait3A_49 = tpu.memref_squeeze %dma_wait3A_48 : memref<1x640x128xf32, #tpu.memory_space<hbm>> -> memref<640x128xf32, #tpu.memory_space<hbm>>
      %dma_wait3A_50 = arith.constant 0 : i32
      %dma_wait3A_51 = tpu.memref_slice %arg7[%mul3A_39, %dma_wait3A_50] : memref<10240x128xf32, #tpu.memory_space<vmem_shared>> -> memref<640x128xf32, #tpu.memory_space<vmem_shared>>
      tpu.wait_dma2 semaphore(%run_scoped3A : memref<!tpu.dma_semaphore, #tpu.memory_space<semaphore_mem>>) src(%dma_wait3A_51 : memref<640x128xf32, #tpu.memory_space<vmem_shared>>) dst(%dma_wait3A_49 : memref<640x128xf32, #tpu.memory_space<hbm>>)
      tpu.yield
    }) : () -> ()
    return
  }
}

module attributes {stable_mosaic.version = 14 : i64} {
  func.func @_prep1_body(%arg0: i32, %arg1: memref<1024x1xf32, #tpu.memory_space<vmem>>, %arg2: memref<1024x1xf32, #tpu.memory_space<vmem>>, %arg3: memref<1024x128xf32, #tpu.memory_space<vmem>>, %arg4: memref<128x128xf32, #tpu.memory_space<vmem>>, %arg5: memref<1024x128xf32, #tpu.memory_space<vmem>>) attributes {dimension_semantics = [#tpu.dimension_semantics<arbitrary>], iteration_bounds = array<i64: 10>, scalar_prefetch = 0 : i64, scratch_operands = 0 : i64, tpu.core_type = #tpu.core_type<tc>, window_params = [{transform_indices = @transform_0, window_bounds = array<i64: 1024, 1>}, {transform_indices = @transform_1, window_bounds = array<i64: 1024, 1>}, {transform_indices = @transform_2, window_bounds = array<i64: 1024, 128>}, {pipeline_mode = #tpu.pipeline_mode<synchronous>, transform_indices = @transform_3, window_bounds = array<i64: 128, 128>}, {transform_indices = @transform_4, window_bounds = array<i64: 1024, 128>}]} {
    %get3A = arith.constant 0 : index
    %get3A_0 = arith.constant 0 : index
    %get3A_1 = vector.load %arg1[%get3A, %get3A_0] : memref<1024x1xf32, #tpu.memory_space<vmem>>, vector<1024x1xf32>
    %get3A_2 = arith.constant 0 : index
    %get3A_3 = arith.constant 0 : index
    %get3A_4 = vector.load %arg2[%get3A_2, %get3A_3] : memref<1024x1xf32, #tpu.memory_space<vmem>>, vector<1024x1xf32>
    %add3A = arith.addf %get3A_1, %get3A_4 : vector<1024x1xf32>
    %add3A_5 = arith.constant 1.000000e+00 : f32
    %add3A_6 = vector.broadcast %add3A_5 : f32 to vector<1024x1xf32>
    %add3A_7 = arith.addf %add3A, %add3A_6 : vector<1024x1xf32>
    %rsqrt3A = math.rsqrt %add3A_7 : vector<1024x1xf32>
    %get3A_8 = arith.constant 0 : index
    %get3A_9 = arith.constant 0 : index
    %get3A_10 = vector.load %arg3[%get3A_8, %get3A_9] : memref<1024x128xf32, #tpu.memory_space<vmem>>, vector<1024x128xf32>
    %get3A_11 = arith.constant 0 : index
    %get3A_12 = arith.constant 0 : index
    %get3A_13 = vector.load %arg4[%get3A_11, %get3A_12] : memref<128x128xf32, #tpu.memory_space<vmem>>, vector<128x128xf32>
    %dot_general3A = arith.constant dense<0.000000e+00> : vector<1024x128xf32>
    %dot_general3A_14 = tpu.matmul %get3A_10, %get3A_13, %dot_general3A {dimension_numbers = #tpu.dot_dimension_numbers<[1], [0], [0], [1], [0, 0, 1, 1], [], []>, transpose_lhs_hint = false} : vector<1024x128xf32>, vector<128x128xf32>, vector<1024x128xf32> -> vector<1024x128xf32>
    %mul3A = vector.broadcast %rsqrt3A : vector<1024x1xf32> to vector<1024x128xf32>
    %mul3A_15 = arith.mulf %mul3A, %dot_general3A_14 : vector<1024x128xf32>
    %swap3A = arith.constant 0 : index
    %swap3A_16 = arith.constant 0 : index
    %swap3A_17 = vector.load %arg5[%swap3A, %swap3A_16] : memref<1024x128xf32, #tpu.memory_space<vmem>>, vector<1024x128xf32>
    tpu.vector_store %arg5[%swap3A, %swap3A_16], %mul3A_15 {strides = array<i32>} : memref<1024x128xf32, #tpu.memory_space<vmem>>, vector<1024x128xf32>,
    return
  }
  func.func @transform_0(%arg0: i32) -> (i32, i32) {
    %c0_i32 = arith.constant 0 : i32
    %c0_i32_0 = arith.constant 0 : i32
    return %arg0, %c0_i32 : i32, i32
  }
  func.func @transform_1(%arg0: i32) -> (i32, i32) {
    %c0_i32 = arith.constant 0 : i32
    %c0_i32_0 = arith.constant 0 : i32
    return %arg0, %c0_i32 : i32, i32
  }
  func.func @transform_2(%arg0: i32) -> (i32, i32) {
    %c0_i32 = arith.constant 0 : i32
    %c0_i32_0 = arith.constant 0 : i32
    return %arg0, %c0_i32 : i32, i32
  }
  func.func @transform_3(%arg0: i32) -> (i32, i32) {
    %c0_i32 = arith.constant 0 : i32
    %c0_i32_0 = arith.constant 0 : i32
    %c0_i32_1 = arith.constant 0 : i32
    return %c0_i32, %c0_i32_0 : i32, i32
  }
  func.func @transform_4(%arg0: i32) -> (i32, i32) {
    %c0_i32 = arith.constant 0 : i32
    %c0_i32_0 = arith.constant 0 : i32
    return %arg0, %c0_i32 : i32, i32
  }
}

module attributes {stable_mosaic.version = 14 : i64} {
  func.func @_mid_body(%arg0: i32, %arg1: memref<1024x1xf32, #tpu.memory_space<vmem>>, %arg2: memref<1024x1xf32, #tpu.memory_space<vmem>>, %arg3: memref<1024x128xf32, #tpu.memory_space<vmem>>, %arg4: memref<1024x128xf32, #tpu.memory_space<vmem>>, %arg5: memref<1024x128xf32, #tpu.memory_space<vmem>>, %arg6: memref<1x128xf32, #tpu.memory_space<vmem>>, %arg7: memref<128x128xf32, #tpu.memory_space<vmem>>, %arg8: memref<8x128xf32, #tpu.memory_space<vmem>>, %arg9: memref<128x128xf32, #tpu.memory_space<vmem>>, %arg10: memref<1x128xf32, #tpu.memory_space<vmem>>, %arg11: memref<1024x128xf32, #tpu.memory_space<vmem>>, %arg12: memref<8x128xf32, #tpu.memory_space<vmem>>) attributes {dimension_semantics = [#tpu.dimension_semantics<arbitrary>], iteration_bounds = array<i64: 10>, scalar_prefetch = 0 : i64, scratch_operands = 0 : i64, tpu.core_type = #tpu.core_type<tc>, window_params = [{transform_indices = @transform_0, window_bounds = array<i64: 1024, 1>}, {transform_indices = @transform_1, window_bounds = array<i64: 1024, 1>}, {transform_indices = @transform_2, window_bounds = array<i64: 1024, 128>}, {transform_indices = @transform_3, window_bounds = array<i64: 1024, 128>}, {transform_indices = @transform_4, window_bounds = array<i64: 1024, 128>}, {pipeline_mode = #tpu.pipeline_mode<synchronous>, transform_indices = @transform_5, window_bounds = array<i64: 1, 128>}, {pipeline_mode = #tpu.pipeline_mode<synchronous>, transform_indices = @transform_6, window_bounds = array<i64: 128, 128>}, {pipeline_mode = #tpu.pipeline_mode<synchronous>, transform_indices = @transform_7, window_bounds = array<i64: 8, 128>}, {pipeline_mode = #tpu.pipeline_mode<synchronous>, transform_indices = @transform_8, window_bounds = array<i64: 128, 128>}, {pipeline_mode = #tpu.pipeline_mode<synchronous>, transform_indices = @transform_9, window_bounds = array<i64: 1, 128>}, {transform_indices = @transform_10, window_bounds = array<i64: 1024, 128>}, {pipeline_mode = #tpu.pipeline_mode<synchronous>, transform_indices = @transform_11, window_bounds = array<i64: 8, 128>}]} {
    %get3A = arith.constant 0 : index
    %get3A_0 = arith.constant 0 : index
    %get3A_1 = vector.load %arg1[%get3A, %get3A_0] : memref<1024x1xf32, #tpu.memory_space<vmem>>, vector<1024x1xf32>
    %get3A_2 = arith.constant 0 : index
    %get3A_3 = arith.constant 0 : index
    %get3A_4 = vector.load %arg2[%get3A_2, %get3A_3] : memref<1024x1xf32, #tpu.memory_space<vmem>>, vector<1024x1xf32>
    %add3A = arith.addf %get3A_1, %get3A_4 : vector<1024x1xf32>
    %add3A_5 = arith.constant 1.000000e+00 : f32
    %add3A_6 = vector.broadcast %add3A_5 : f32 to vector<1024x1xf32>
    %add3A_7 = arith.addf %add3A, %add3A_6 : vector<1024x1xf32>
    %rsqrt3A = math.rsqrt %add3A_7 : vector<1024x1xf32>
    %get3A_8 = arith.constant 0 : index
    %get3A_9 = arith.constant 0 : index
    %get3A_10 = vector.load %arg3[%get3A_8, %get3A_9] : memref<1024x128xf32, #tpu.memory_space<vmem>>, vector<1024x128xf32>
    %get3A_11 = arith.constant 0 : index
    %get3A_12 = arith.constant 0 : index
    %get3A_13 = vector.load %arg4[%get3A_11, %get3A_12] : memref<1024x128xf32, #tpu.memory_space<vmem>>, vector<1024x128xf32>
    %add3A_14 = arith.addf %get3A_10, %get3A_13 : vector<1024x128xf32>
    %get3A_15 = arith.constant 0 : index
    %get3A_16 = arith.constant 0 : index
    %get3A_17 = vector.load %arg5[%get3A_15, %get3A_16] : memref<1024x128xf32, #tpu.memory_space<vmem>>, vector<1024x128xf32>
    %add3A_18 = arith.addf %add3A_14, %get3A_17 : vector<1024x128xf32>
    %mul3A = vector.broadcast %rsqrt3A : vector<1024x1xf32> to vector<1024x128xf32>
    %mul3A_19 = arith.mulf %mul3A, %add3A_18 : vector<1024x128xf32>
    %get3A_20 = arith.constant 0 : index
    %get3A_21 = arith.constant 0 : index
    %get3A_22 = vector.load %arg6[%get3A_20, %get3A_21] : memref<1x128xf32, #tpu.memory_space<vmem>>, vector<1x128xf32>
    %add3A_23 = vector.broadcast %get3A_22 : vector<1x128xf32> to vector<1024x128xf32>
    %add3A_24 = arith.addf %mul3A_19, %add3A_23 : vector<1024x128xf32>
    %max3A = arith.constant 0.000000e+00 : f32
    %max3A_25 = vector.broadcast %max3A : f32 to vector<1024x128xf32>
    %max3A_26 = arith.maximumf %add3A_24, %max3A_25 : vector<1024x128xf32>
    %get3A_27 = arith.constant 0 : index
    %get3A_28 = arith.constant 0 : index
    %get3A_29 = vector.load %arg7[%get3A_27, %get3A_28] : memref<128x128xf32, #tpu.memory_space<vmem>>, vector<128x128xf32>
    %dot_general3A = arith.constant dense<0.000000e+00> : vector<1024x128xf32>
    %dot_general3A_30 = tpu.matmul %max3A_26, %get3A_29, %dot_general3A {dimension_numbers = #tpu.dot_dimension_numbers<[1], [0], [0], [1], [0, 0, 1, 1], [], []>, transpose_lhs_hint = false} : vector<1024x128xf32>, vector<128x128xf32>, vector<1024x128xf32> -> vector<1024x128xf32>
    %mul3A_31 = vector.broadcast %rsqrt3A : vector<1024x1xf32> to vector<1024x128xf32>
    %mul3A_32 = arith.mulf %mul3A_31, %dot_general3A_30 : vector<1024x128xf32>
    %swap3A = arith.constant 0 : index
    %swap3A_33 = arith.constant 0 : index
    %swap3A_34 = vector.load %arg11[%swap3A, %swap3A_33] : memref<1024x128xf32, #tpu.memory_space<vmem>>, vector<1024x128xf32>
    tpu.vector_store %arg11[%swap3A, %swap3A_33], %mul3A_32 {strides = array<i32>} : memref<1024x128xf32, #tpu.memory_space<vmem>>, vector<1024x128xf32>,
    %eq3A = arith.constant 0 : i32
    %eq3A_35 = arith.cmpi eq, %arg0, %eq3A : i32
    %convert_element_type3A = arith.extui %eq3A_35 : i1 to i32
    %cond3A = arith.constant 0 : i32
    %cond3A_36 = arith.cmpi ne, %convert_element_type3A, %cond3A : i32
    scf.if %cond3A_36 {
      %get3A_37 = arith.constant 0 : index
      %get3A_38 = arith.constant 0 : index
      %get3A_39 = vector.load %arg8[%get3A_37, %get3A_38] : memref<8x128xf32, #tpu.memory_space<vmem>>, vector<8x128xf32>
      %get3A_40 = arith.constant 0 : index
      %get3A_41 = arith.constant 0 : index
      %get3A_42 = vector.load %arg9[%get3A_40, %get3A_41] : memref<128x128xf32, #tpu.memory_space<vmem>>, vector<128x128xf32>
      %dot_general3A_43 = arith.constant dense<0.000000e+00> : vector<8x128xf32>
      %dot_general3A_44 = tpu.matmul %get3A_39, %get3A_42, %dot_general3A_43 {dimension_numbers = #tpu.dot_dimension_numbers<[1], [0], [0], [1], [0, 0, 1, 1], [], []>, transpose_lhs_hint = false} : vector<8x128xf32>, vector<128x128xf32>, vector<8x128xf32> -> vector<8x128xf32>
      %get3A_45 = arith.constant 0 : index
      %get3A_46 = arith.constant 0 : index
      %get3A_47 = vector.load %arg10[%get3A_45, %get3A_46] : memref<1x128xf32, #tpu.memory_space<vmem>>, vector<1x128xf32>
      %add3A_48 = vector.broadcast %get3A_47 : vector<1x128xf32> to vector<8x128xf32>
      %add3A_49 = arith.addf %dot_general3A_44, %add3A_48 : vector<8x128xf32>
      %max3A_50 = arith.constant 0.000000e+00 : f32
      %max3A_51 = vector.broadcast %max3A_50 : f32 to vector<8x128xf32>
      %max3A_52 = arith.maximumf %add3A_49, %max3A_51 : vector<8x128xf32>
      %swap3A_53 = arith.constant 0 : index
      %swap3A_54 = arith.constant 0 : index
      %swap3A_55 = vector.load %arg12[%swap3A_53, %swap3A_54] : memref<8x128xf32, #tpu.memory_space<vmem>>, vector<8x128xf32>
      tpu.vector_store %arg12[%swap3A_53, %swap3A_54], %max3A_52 {strides = array<i32>} : memref<8x128xf32, #tpu.memory_space<vmem>>, vector<8x128xf32>,
    } else {
    }
    return
  }
  func.func @transform_0(%arg0: i32) -> (i32, i32) {
    %c0_i32 = arith.constant 0 : i32
    %c0_i32_0 = arith.constant 0 : i32
    return %arg0, %c0_i32 : i32, i32
  }
  func.func @transform_1(%arg0: i32) -> (i32, i32) {
    %c0_i32 = arith.constant 0 : i32
    %c0_i32_0 = arith.constant 0 : i32
    return %arg0, %c0_i32 : i32, i32
  }
  func.func @transform_2(%arg0: i32) -> (i32, i32) {
    %c0_i32 = arith.constant 0 : i32
    %c0_i32_0 = arith.constant 0 : i32
    return %arg0, %c0_i32 : i32, i32
  }
  func.func @transform_3(%arg0: i32) -> (i32, i32) {
    %c0_i32 = arith.constant 0 : i32
    %c0_i32_0 = arith.constant 0 : i32
    return %arg0, %c0_i32 : i32, i32
  }
  func.func @transform_4(%arg0: i32) -> (i32, i32) {
    %c0_i32 = arith.constant 0 : i32
    %c0_i32_0 = arith.constant 0 : i32
    return %arg0, %c0_i32 : i32, i32
  }
  func.func @transform_5(%arg0: i32) -> (i32, i32) {
    %c0_i32 = arith.constant 0 : i32
    %c0_i32_0 = arith.constant 0 : i32
    %c0_i32_1 = arith.constant 0 : i32
    return %c0_i32, %c0_i32_0 : i32, i32
  }
  func.func @transform_6(%arg0: i32) -> (i32, i32) {
    %c0_i32 = arith.constant 0 : i32
    %c0_i32_0 = arith.constant 0 : i32
    %c0_i32_1 = arith.constant 0 : i32
    return %c0_i32, %c0_i32_0 : i32, i32
  }
  func.func @transform_7(%arg0: i32) -> (i32, i32) {
    %c0_i32 = arith.constant 0 : i32
    %c0_i32_0 = arith.constant 0 : i32
    %c0_i32_1 = arith.constant 0 : i32
    return %c0_i32, %c0_i32_0 : i32, i32
  }
  func.func @transform_8(%arg0: i32) -> (i32, i32) {
    %c0_i32 = arith.constant 0 : i32
    %c0_i32_0 = arith.constant 0 : i32
    %c0_i32_1 = arith.constant 0 : i32
    return %c0_i32, %c0_i32_0 : i32, i32
  }
  func.func @transform_9(%arg0: i32) -> (i32, i32) {
    %c0_i32 = arith.constant 0 : i32
    %c0_i32_0 = arith.constant 0 : i32
    %c0_i32_1 = arith.constant 0 : i32
    return %c0_i32, %c0_i32_0 : i32, i32
  }
  func.func @transform_10(%arg0: i32) -> (i32, i32) {
    %c0_i32 = arith.constant 0 : i32
    %c0_i32_0 = arith.constant 0 : i32
    return %arg0, %c0_i32 : i32, i32
  }
  func.func @transform_11(%arg0: i32) -> (i32, i32) {
    %c0_i32 = arith.constant 0 : i32
    %c0_i32_0 = arith.constant 0 : i32
    %c0_i32_1 = arith.constant 0 : i32
    return %c0_i32, %c0_i32_0 : i32, i32
  }
}

module attributes {stable_mosaic.version = 14 : i64} {
  func.func @_final_body(%arg0: i32, %arg1: memref<1024x1xf32, #tpu.memory_space<vmem>>, %arg2: memref<1024x1xf32, #tpu.memory_space<vmem>>, %arg3: memref<1024x128xf32, #tpu.memory_space<vmem>>, %arg4: memref<1024x128xf32, #tpu.memory_space<vmem>>, %arg5: memref<1024x128xf32, #tpu.memory_space<vmem>>, %arg6: memref<1x128xf32, #tpu.memory_space<vmem>>, %arg7: memref<1024x128xf32, #tpu.memory_space<vmem>>) attributes {dimension_semantics = [#tpu.dimension_semantics<arbitrary>], iteration_bounds = array<i64: 10>, scalar_prefetch = 0 : i64, scratch_operands = 0 : i64, tpu.core_type = #tpu.core_type<tc>, window_params = [{transform_indices = @transform_0, window_bounds = array<i64: 1024, 1>}, {transform_indices = @transform_1, window_bounds = array<i64: 1024, 1>}, {transform_indices = @transform_2, window_bounds = array<i64: 1024, 128>}, {transform_indices = @transform_3, window_bounds = array<i64: 1024, 128>}, {transform_indices = @transform_4, window_bounds = array<i64: 1024, 128>}, {pipeline_mode = #tpu.pipeline_mode<synchronous>, transform_indices = @transform_5, window_bounds = array<i64: 1, 128>}, {transform_indices = @transform_6, window_bounds = array<i64: 1024, 128>}]} {
    %get3A = arith.constant 0 : index
    %get3A_0 = arith.constant 0 : index
    %get3A_1 = vector.load %arg1[%get3A, %get3A_0] : memref<1024x1xf32, #tpu.memory_space<vmem>>, vector<1024x1xf32>
    %get3A_2 = arith.constant 0 : index
    %get3A_3 = arith.constant 0 : index
    %get3A_4 = vector.load %arg2[%get3A_2, %get3A_3] : memref<1024x1xf32, #tpu.memory_space<vmem>>, vector<1024x1xf32>
    %add3A = arith.addf %get3A_1, %get3A_4 : vector<1024x1xf32>
    %add3A_5 = arith.constant 1.000000e+00 : f32
    %add3A_6 = vector.broadcast %add3A_5 : f32 to vector<1024x1xf32>
    %add3A_7 = arith.addf %add3A, %add3A_6 : vector<1024x1xf32>
    %rsqrt3A = math.rsqrt %add3A_7 : vector<1024x1xf32>
    %get3A_8 = arith.constant 0 : index
    %get3A_9 = arith.constant 0 : index
    %get3A_10 = vector.load %arg3[%get3A_8, %get3A_9] : memref<1024x128xf32, #tpu.memory_space<vmem>>, vector<1024x128xf32>
    %get3A_11 = arith.constant 0 : index
    %get3A_12 = arith.constant 0 : index
    %get3A_13 = vector.load %arg4[%get3A_11, %get3A_12] : memref<1024x128xf32, #tpu.memory_space<vmem>>, vector<1024x128xf32>
    %add3A_14 = arith.addf %get3A_10, %get3A_13 : vector<1024x128xf32>
    %get3A_15 = arith.constant 0 : index
    %get3A_16 = arith.constant 0 : index
    %get3A_17 = vector.load %arg5[%get3A_15, %get3A_16] : memref<1024x128xf32, #tpu.memory_space<vmem>>, vector<1024x128xf32>
    %add3A_18 = arith.addf %add3A_14, %get3A_17 : vector<1024x128xf32>
    %mul3A = vector.broadcast %rsqrt3A : vector<1024x1xf32> to vector<1024x128xf32>
    %mul3A_19 = arith.mulf %mul3A, %add3A_18 : vector<1024x128xf32>
    %get3A_20 = arith.constant 0 : index
    %get3A_21 = arith.constant 0 : index
    %get3A_22 = vector.load %arg6[%get3A_20, %get3A_21] : memref<1x128xf32, #tpu.memory_space<vmem>>, vector<1x128xf32>
    %add3A_23 = vector.broadcast %get3A_22 : vector<1x128xf32> to vector<1024x128xf32>
    %add3A_24 = arith.addf %mul3A_19, %add3A_23 : vector<1024x128xf32>
    %swap3A = arith.constant 0 : index
    %swap3A_25 = arith.constant 0 : index
    %swap3A_26 = vector.load %arg7[%swap3A, %swap3A_25] : memref<1024x128xf32, #tpu.memory_space<vmem>>, vector<1024x128xf32>
    tpu.vector_store %arg7[%swap3A, %swap3A_25], %add3A_24 {strides = array<i32>} : memref<1024x128xf32, #tpu.memory_space<vmem>>, vector<1024x128xf32>,
    return
  }
  func.func @transform_0(%arg0: i32) -> (i32, i32) {
    %c0_i32 = arith.constant 0 : i32
    %c0_i32_0 = arith.constant 0 : i32
    return %arg0, %c0_i32 : i32, i32
  }
  func.func @transform_1(%arg0: i32) -> (i32, i32) {
    %c0_i32 = arith.constant 0 : i32
    %c0_i32_0 = arith.constant 0 : i32
    return %arg0, %c0_i32 : i32, i32
  }
  func.func @transform_2(%arg0: i32) -> (i32, i32) {
    %c0_i32 = arith.constant 0 : i32
    %c0_i32_0 = arith.constant 0 : i32
    return %arg0, %c0_i32 : i32, i32
  }
  func.func @transform_3(%arg0: i32) -> (i32, i32) {
    %c0_i32 = arith.constant 0 : i32
    %c0_i32_0 = arith.constant 0 : i32
    return %arg0, %c0_i32 : i32, i32
  }
  func.func @transform_4(%arg0: i32) -> (i32, i32) {
    %c0_i32 = arith.constant 0 : i32
    %c0_i32_0 = arith.constant 0 : i32
    return %arg0, %c0_i32 : i32, i32
  }
  func.func @transform_5(%arg0: i32) -> (i32, i32) {
    %c0_i32 = arith.constant 0 : i32
    %c0_i32_0 = arith.constant 0 : i32
    %c0_i32_1 = arith.constant 0 : i32
    return %c0_i32, %c0_i32_0 : i32, i32
  }
  func.func @transform_6(%arg0: i32) -> (i32, i32) {
    %c0_i32 = arith.constant 0 : i32
    %c0_i32_0 = arith.constant 0 : i32
    return %arg0, %c0_i32 : i32, i32
  }
}

</mosaic_0001>

<sc_bundles>
// kernel: kernel.11.cloned.1.call-start
scs
__scs_entry_jumppad:
0x0: {  	(pc) =	sbr.rel $0x88, $3  }
0x1: {  	(tag) =	ssettag $0x0;
	lr =	simm.s32 $0x1  }
0x2: {  	[smem:$0x3F98] =	sst lr;
	_ =	strace $0xD0000000  }
0x3: {  	_ = 	snop  }
0x4: {  	_ = 	snop  }
0x5: {  	_ = 	snop  }
0x6: {  	_ = 	snop  }
0x7: {  	_ = 	snop  }
__scs_overlays_trampoline_lowered:
0x8: {  	[smem:$0x3FA7] =	sst s0  }
0x9: {  	[smem:$0x3FA8] =	sst s1  }
0xa: {  	[smem:$0x3FA9] =	sst s2  }
0xb: {  	[smem:$0x3FAA] =	sst s3  }
0xc: {  	[smem:$0x3FAB] =	sst s4  }
0xd: {  	[smem:$0x3FAC] =	sst s5  }
0xe: {  	[smem:$0x3FAD] =	sst s6  }
0xf: {  	[smem:$0x3FAE] =	sst s7  }
0x10: {  	[smem:$0x3FAF] =	sst s8  }
0x11: {  	[smem:$0x3FB0] =	sst s9;
	s0 =	simm.s32 @!p0 $0x0  }
0x12: {  	s1 =	sld [smem:$0x3F96];
	s0 =	simm.s32 @p0 $0x1  }
0x13: {  	[smem:$0x3FB1] =	sst s0;
	s0 =	simm.s32 @!p1 $0x0  }
0x14: {  	s2 =	sld [smem:$0x3F95];
	s0 =	simm.s32 @p1 $0x1  }
0x15: {  	[smem:$0x3FB2] =	sst s0;
	s0 =	simm.s32 @!p2 $0x0  }
0x16: {  	s3 =	sld [smem:$0x3FDB];
	s0 =	simm.s32 @p2 $0x1  }
0x17: {  	s4 =	simm.s32 $0x1BF5;
	[smem:$0x3FB4] =	sst s0  }
0x18: {  	s0 =	sld [smem:$0x3F97];
	_ =	swait.ge [sflag:s4], $0x0  }
0x19: {  	s7 =	sld [smem:$0x3F98]  }
0x1a: {  	s8 =	sadd.s32 $0xFFFFE003, lr  }
0x1b: {  	s9 =	sadd.s32 $0xFFFFFEF7, lr;
	s5 =	simm.s32 $0xFFFFFFFF;
	p2 =	slt.u32 s8, $0xFFFFF086  }
0x1c: {  	p1 =	slt.u32 s9, $0xF7A;
	s5 =	simm.s32 @!p2 $0x0  }
0x1d: {  	s5 =	simm.s32 @p1 $0x1;
	p0 =	seq.s32 s7, s2  }
0x1e: {  	s7 =	smul.u32 @!p0 $0xF7A, s2;
	p2 =	seq.s32 @!p0 s5, $0x0  }
0x1f: {  	s9 =	smul.u32 $0xF7A, s1;
	s8 =	simm.s32 @!p0 $0x1BF5;
	p2 =	por !p2, p0  }
0x20: {  	[sflag:s8] =	ssyncset.s32 @!p0 $0xFFFFF086;
	s6 =	sadd.s32 @!p0 s3, s7;
	s7 =	simm.s32 @!p0 $0x108  }
0x21: {  	s3 =	sadd.s32 s3, s9;
	s6 =	sadd.s32 @!p0 $0x88, s6;
	s7 =	simm.s32 @p2 $0x1082  }
0x22: {  	[simem:s7], [sflag:s8] =	dma.local @!p0 [hbm:s6], $0xF7A  }
0x23: {  	s9 =	sor.u32 $0xD0000000, s2;
	s6 =	simm.s32 $0x108;
	_ =	swait.ge @!p0 [sflag:s8], $0x0  }
0x24: {  	s3 =	sadd.s32 $0x88, s3;
	s6 =	simm.s32 @!p1 $0x1082;
	[sflag:s4] =	ssyncset.s32 $0xFFFFF086  }
0x25: {  	[simem:s6], [sflag:s4] =	dma.local [hbm:s3], $0xF7A  }
0x26: {  	[smem:$0x3F98] =	sst s1;
	(tag) =	ssettag s2;
	_ =	strace s9  }
0x27: {  	s1 =	sld [smem:$0x3FA8]  }
0x28: {  	s2 =	sld [smem:$0x3FA9]  }
0x29: {  	s4 =	sld [smem:$0x3FAB]  }
0x2a: {  	p0 =	seq.s32 s5, $0x0;
	s5 =	sld [smem:$0x3FAC]  }
0x2b: {  	s6 =	sld [smem:$0x3FAD]  }
0x2c: {  	s7 =	sld [smem:$0x3FAE]  }
0x2d: {  	s3 =	simm.s32 $0x108;
	s8 =	sld [smem:$0x3FAF]  }
0x2e: {  	s3 =	simm.s32 @!p0 $0x1082;
	s9 =	sld [smem:$0x3FB0]  }
0x2f: {  	lr =	sadd.s32 s0, s3;
	s0 =	sld [smem:$0x3FA7]  }
0x30: {  	s3 =	sld [smem:$0x3FAA]  }
0x31: {  	[smem:$0x3FB3] =	sst s10  }
0x32: {  	s10 =	sld [smem:$0x3FB1];
	_ =	sdelay $0x3  }
0x33: {  	p0 =	seq.s32 s10, $0x1;
	s10 =	sld [smem:$0x3FB3];
	_ =	sdelay $0x3  }
0x34: {  	[smem:$0x3FB3] =	sst s10  }
0x35: {  	s10 =	sld [smem:$0x3FB2];
	_ =	sdelay $0x3  }
0x36: {  	p1 =	seq.s32 s10, $0x1;
	s10 =	sld [smem:$0x3FB3];
	_ =	sdelay $0x3  }
0x37: {  	[smem:$0x3FB3] =	sst s10  }
0x38: {  	s10 =	sld [smem:$0x3FB4]  }
0x39: {  	_ = 	snop;
	(pc) =	sbr.ind lr, $3  }
0x3a: {  	_ = 	snop  }
0x3b: {  	_ = 	snop  }
0x3c: {  	p2 =	seq.s32 s10, $0x1;
	s10 =	sld [smem:$0x3FB3]  }
0x3d: {  	_ =	shalt  }
0x3e: {  	_ =	shalt  }
0x3f: {  	_ =	shalt  }
0x40: {  	_ =	shalt  }
0x41: {  	_ =	shalt  }
0x42: {  	_ =	shalt  }
0x43: {  	_ =	shalt  }
0x44: {  	_ =	shalt  }
0x45: {  	_ =	shalt  }
0x46: {  	_ =	shalt  }
0x47: {  	_ =	shalt  }
0x48: {  	_ =	shalt  }
0x49: {  	_ =	shalt  }
0x4a: {  	_ =	shalt  }
0x4b: {  	_ =	shalt  }
0x4c: {  	_ =	shalt  }
0x4d: {  	_ =	shalt  }
0x4e: {  	_ =	shalt  }
0x4f: {  	_ =	shalt  }
0x50: {  	_ =	shalt  }
0x51: {  	_ =	shalt  }
0x52: {  	_ =	shalt  }
0x53: {  	_ =	shalt  }
0x54: {  	_ =	shalt  }
0x55: {  	_ =	shalt  }
0x56: {  	_ =	shalt  }
0x57: {  	_ =	shalt  }
0x58: {  	_ =	shalt  }
0x59: {  	_ =	shalt  }
0x5a: {  	_ =	shalt  }
0x5b: {  	_ =	shalt  }
0x5c: {  	_ =	shalt  }
0x5d: {  	_ =	shalt  }
0x5e: {  	_ =	shalt  }
0x5f: {  	_ =	shalt  }
0x60: {  	_ =	shalt  }
0x61: {  	_ =	shalt  }
0x62: {  	_ =	shalt  }
0x63: {  	_ =	shalt  }
0x64: {  	_ =	shalt  }
0x65: {  	_ =	shalt  }
0x66: {  	_ =	shalt  }
0x67: {  	_ =	shalt  }
0x68: {  	_ =	shalt  }
0x69: {  	_ =	shalt  }
0x6a: {  	_ =	shalt  }
0x6b: {  	_ =	shalt  }
0x6c: {  	_ =	shalt  }
0x6d: {  	_ =	shalt  }
0x6e: {  	_ =	shalt  }
0x6f: {  	_ =	shalt  }
0x70: {  	_ =	shalt  }
0x71: {  	_ =	shalt  }
0x72: {  	_ =	shalt  }
0x73: {  	_ =	shalt  }
0x74: {  	_ =	shalt  }
0x75: {  	_ =	shalt  }
0x76: {  	_ =	shalt  }
0x77: {  	_ =	shalt  }
0x78: {  	_ =	shalt  }
0x79: {  	_ =	shalt  }
0x7a: {  	_ =	shalt  }
0x7b: {  	_ =	shalt  }
0x7c: {  	_ =	shalt  }
0x7d: {  	_ =	shalt  }
0x7e: {  	_ =	shalt  }
0x7f: {  	_ =	shalt  }
0x80: {  	_ =	shalt  }
0x81: {  	_ =	shalt  }
0x82: {  	_ =	shalt  }
0x83: {  	_ =	shalt  }
0x84: {  	_ =	shalt  }
0x85: {  	_ =	shalt  }
0x86: {  	_ =	shalt  }
0x87: {  	_ =	shalt  }
.Lfunc_end0:
.L_simem_size_0:
called_computation.1_lowered:
.L_overlay_start_0:
0x88: {  	s2 =	sld [smem:$0x3FD9]  }
0x89: {  	s3 =	sld [smem:$0x3FFE];
	_ =	sdelay $0x1  }
0x8a: {  	s1 =	srdreg.scid  }
0x8b: {  	s0 =	sand.u32 $0x1, s1  }
0x8c: {  	s14 =	sshll.u32 s0, $0xA;
	s2 =	sadd.s32 s3, s2  }
0x8d: {  	s2 =	sadd.s32 s2, s14  }
0x8e: {  	[smem:$0x3FBF] =	sst s2  }
0x8f: {  	_ = 	snop  }
0x90: {  	s2 =	sld [smem:$0x3FD0];
	_ =	sdelay $0x2  }
0x91: {  	s15 =	simm.s32 $0xA;
	s4 =	simm.s32 $0x10  }
0x92: {  	[smem:s4], [sflag:s15] =	dma.local [hbm:s2], $0x1  }
0x93: {  	_ =	swait.eq [sflag:s15], $0x1  }
0x94: {  	[sflag:s15] =	ssyncset.done $0x0  }
0x95: {  	[sflag:s15] =	ssyncadd.s32 $0xFFFFFFFF  }
0x96: {  	s16 =	sld [smem:$0x11];
	(tm) =	ssettm $0x1  }
0x97: {  	s17 =	sld [smem:$0x3FFB];
	_ =	sdelay $0x3  }
0x98: {  	_ =	strace s17  }
0x99: {  	s3 =	sld [smem:$0x3FFC];
	_ =	sdelay $0x3  }
0x9a: {  	_ =	strace s3  }
0x9b: {  	s3 =	sld [smem:$0x3FFD];
	_ =	sdelay $0x3  }
0x9c: {  	_ =	strace s3  }
0x9d: {  	_ =	strace $0x8FFFFFFF  }
0x9e: {  	s18 =	sld [smem:$0x3FDB];
	_ =	sdelay $0x1  }
0x9f: {  	s19 =	simm.s32 $_scs_section_size  }
0xa0: {  	s5 =	simm.s32 $_size__tile_overlayer_lowered;
	s6 =	simm.s32 $_tile_overlayer_lowered  }
0xa1: {  	s22 =	simm.s32 $0x1BFF;
	s21 =	sshll.u32 s6, $0x1;
	s3 =	sadd.s32 s19, s18  }
0xa2: {  	s7 =	simm.s32 $0x0;
	s20 =	sshll.u32 s5, $0x1;
	s5 =	sadd.s32 s21, s3  }
0xa3: {  	[timem:s7], [sflag:s22] =	dma.local [hbm:s5], s20  }
0xa4: {  	_ =	swait.ge [sflag:s22], s20  }
0xa5: {  	s4 =	ssub.s32 $0x0, s20;
	[sflag:s22] =	ssyncset.done $0x0  }
0xa6: {  	[sflag:s22] =	ssyncadd.s32 s4;
	_ =	sdelay $0x1  }
0xa7: {  	s23 =	simm.s32 $0x1B8B  }
0xa8: {  	_ =	swait.ge [sflag:s23], $0x1  }
0xa9: {  	[sflag:s23] =	ssyncset.done $0x0  }
0xaa: {  	s25 =	simm.s32 $0x1B8E;
	s24 =	sld [smem:$0x3FFE];
	[sflag:s23] =	ssyncadd.s32 $0xFFFFFFFF  }
0xab: {  	s26 =	simm.s32 $execute0_lowered;
	[smem:$0x3FD2] =	sst s25  }
0xac: {  	s5 =	sshll.u32 s26, $0x1;
	_ =	strace $0x80000049;
	[dreg:$0x1] =	wrdreg $0xFFFFFFFF  }
0xad: {  	s28 =	simm.s32 $_size_execute0_lowered;
	s3 =	sadd.s32 s3, s5;
	[dreg:$0x0] =	wrdreg $0x0  }
0xae: {  	s5 =	sshll.u32 s28, $0x1;
	[dreg:$0x2] =	wrdreg s3  }
0xaf: {  	[dreg:$0x3] =	wrdreg s5  }
0xb0: {  	[dreg:$0x4] =	wrdreg $0xC0  }
0xb1: {  	_ =	task [dreg:s7], $0x5FFFF  }
0xb2: {  	[dreg:$0x1] =	wrdreg $0xFFFFFFFF  }
0xb3: {  	[dreg:$0x0] =	wrdreg $0x60  }
0xb4: {  	[dreg:$0x2] =	wrdreg s24  }
0xb5: {  	[dreg:$0x3] =	wrdreg s16  }
0xb6: {  	[dreg:$0x4] =	wrdreg $0x0  }
0xb7: {  	[dreg:$0x5] =	wrdreg $0x9  }
0xb8: {  	_ =	task.clear_ibuf [dreg:s7], $0x6FFFF;
	_ =	strace $0x90000049  }
0xb9: {  	s29 =	simm.s32 $0x9;
	_ =	strace $0x8000004B  }
0xba: {  	_ =	swait.ge [sflag:s29], $0x1  }
0xbb: {  	[sflag:s29] =	ssyncadd.s32 $0xFFFFFFFF  }
0xbc: {  	_ =	strace $0x9000004B  }
0xbd: {  	_ =	sfence  }
0xbe: {  	s30 =	sld [smem:$0x0];
	_ =	sdelay $0x2  }
0xbf: {  	s31 =	sshll.u32 s1, $0xD;
	s1 =	sshrl.u32 s1, $0x2  }
0xc0: {  	s3 =	sand.u32 $0x4000, s31;
	s1 =	sadd.s32 s1, s30  }
0xc1: {  	s0 =	sor.u32 s3, s0;
	s1 =	sshll.u32 s1, $0x11  }
0xc2: {  	s0 =	sor.u32 s1, s0  }
0xc3: {  	s0 =	sadd.s32 $0x8F2B, s0  }
0xc4: {  	[sflag:s0] =	ssyncadd.remote.s32 $0x1  }
0xc5: {  	_ =	sfence.sel $0xFFFF  }
0xc6: {  	[dreg:$0x0] =	wrdreg $0xFFFFFFFF;
	(pc) =	sbr.abs _section_cstart, $3  }
0xc7: {  	[dreg:$0x1] =	wrdreg $0xFFFFFFFF  }
0xc8: {  	_ =	task.clear_ibuf [dreg:s7], $0x2FFFF;
	_ =	strace $0x9FFFFFFF  }
0xc9: {  	(tm) =	ssettm $0x7FFFFFFF  }
tec
execute0_lowered:
.L_overlay_start_1:
0x0: {  	(tag) =	ssettag $0x1  }
0x1: {  	s0 =	rddreg [dreg:$0x0];
	s1 =	srdreg.scid  }
0x2: {  	s3 =	rddreg [dreg:$0x2];
	s9 =	stileid.u32  }
0x3: {  	s4 =	simm.s32 $0x0;
	s31 =	simm.s32 $0x14080;
	s29 =	simm.s32 $0x8  }
0x4: {  	s28 =	simm.s32 $0x14480;
	s30 =	simm.s32 $0x4;
	s1 =	sand.u32 $0x1, s1  }
0x5: {  	s6 =	smul.u32 $0x14000, s9;
	[smem:$0x7FF] =	sst s4;
	s5 =	sadd.s32 $0x16600, s0  }
0x6: {  	s10 =	sadd.s32 $0x2A00, s0;
	s11 =	sadd.s32 $0xC800, s0;
	s8 =	smul.u32 $0x50000, s9  }
0x7: {  	s22 =	sshll.u32 s9, $0x6;
	s2 =	smul.u32 $0x140000, s1;
	_ =	strace $0x8000004A  }
0x8: {  	s19 =	ssub.s32 $0x2, s1;
	s7 =	sshll.u32 s1, $0x4;
	[dreg:$0x5] =	wrdreg s11  }
0x9: {  	s1 =	smul.u32 $0x27600, s1;
	s13 =	sor.u32 $0x1C0D, s22;
	[dreg:$0x4] =	wrdreg s10  }
0xa: {  	s20 =	sshrl.u32 s19, $0x1;
	s7 =	sor.u32 s9, s7;
	s21 =	sshrl.u32 s8, $0x2  }
0xb: {  	s9 =	smul.u32 $0x2760, s9;
	[dreg:$0x7] =	wrdreg s13;
	s2 =	sadd.s32 s6, s2  }
0xc: {  	s7 =	smul.u32 $0x2760, s7;
	s6 =	sadd.s32 s21, s3;
	s2 =	sshrl.u32 s2, $0x3  }
0xd: {  	[dreg:$0x6] =	wrdreg s6;
	s1 =	sadd.s32 s9, s1;
	s9 =	simm.s32 $0x0  }
0xe: {  	s0 =	sadd.s32 s2, s0;
	s2 =	ssub.s32 s19, s20;
	s23 =	sshrl.u32 s7, $0x3  }
0xf: {  	s7 =	sadd.s32 $0x78, s7;
	s12 =	sadd.s32 $0x348, s1;
	s14 =	sadd.s32 $0x258, s1  }
0x10: {  	s17 =	sadd.s32 $0x2D0, s1;
	s19 =	sadd.s32 $0x1E0, s1;
	s21 =	sadd.s32 $0x168, s1  }
0x11: {  	s1 =	sadd.s32 $0xF0, s1;
	s24 =	sadd.s32 s10, s23;
	s25 =	sshrl.u32 s7, $0x3  }
0x12: {  	s26 =	sadd.s32 s11, s23;
	s0 =	sadd.s32 $0x3E600, s0;
	s2 =	smax.u32 s2, $0x1  }
0x13: {  	s16 =	sshrl.u32 s14, $0x3;
	[dreg:$0x10] =	wrdreg s17;
	s20 =	sshrl.u32 s19, $0x3  }
0x14: {  	s14 =	simm.s32 $0x14380;
	s7 =	simm.s32 $0x14200;
	[dreg:$0x8] =	wrdreg s24  }
0x15: {  	s17 =	simm.s32 $0xB;
	s19 =	simm.s32 $0x5;
	[dreg:$0x9] =	wrdreg s26  }
0x16: {  	s8 =	sadd.s32 s10, s25;
	s6 =	sadd.s32 s11, s25;
	[dreg:$0xc] =	wrdreg s0  }
0x17: {  	[dreg:$0xd] =	wrdreg s2;
	s0 =	sshrl.u32 s12, $0x3;
	s18 =	sadd.s32 s16, s11  }
0x18: {  	s22 =	sadd.s32 s20, s11;
	s2 =	sshrl.u32 s21, $0x3;
	[dreg:$0xa] =	wrdreg s8  }
0x19: {  	s24 =	sshrl.u32 s1, $0x3;
	s12 =	simm.s32 $0x7;
	[dreg:$0xb] =	wrdreg s6  }
0x1a: {  	s1 =	simm.s32 $0xA;
	s21 =	simm.s32 $0x14580;
	[dreg:$0x11] =	wrdreg s18  }
0x1b: {  	s15 =	sadd.s32 s0, s11;
	s0 =	sadd.s32 s0, s10;
	[dreg:$0x13] =	wrdreg s22  }
0x1c: {  	s23 =	sadd.s32 s2, s11;
	s25 =	sadd.s32 s2, s10;
	s26 =	sadd.s32 s24, s11  }
0x1d: {  	s2 =	simm.s32 $0x78;
	s8 =	simm.s32 $0x14600;
	[dreg:$0xe] =	wrdreg s15  }
0x1e: {  	s11 =	simm.s32 $0x18200;
	s18 =	simm.s32 $0x1BE00;
	[dreg:$0xf] =	wrdreg s0  }
0x1f: {  	s6 =	simm.s32 $0x9;
	s22 =	simm.s32 $0xC;
	[dreg:$0x15] =	wrdreg s23  }
.Ltmp0:
0x20: {  	s0 =	sadd.s32 s16, s10;
	[dreg:$0x16] =	wrdreg s25;
	(pc) =	sbr.rel .LBB2_1-.Ltmp0, $4  }
0x21: {  	[dreg:$0x17] =	wrdreg s26;
	s15 =	simm.s32 $0x3;
	s16 =	simm.s32 $0x14500  }
0x22: {  	s23 =	simm.s32 $0x6;
	[dreg:$0x12] =	wrdreg s0;
	s0 =	sadd.s32 s20, s10  }
0x23: {  	s20 =	simm.s32 $0x14280;
	[dreg:$0x14] =	wrdreg s0;
	s0 =	sadd.s32 s24, s10  }
0x24: {  	s24 =	simm.s32 $0xD;
	s10 =	simm.s32 $0x2;
	[dreg:$0x18] =	wrdreg s0  }
.LBB2_4:
0x25: {  	_ =	swait.ge [sflag:s17], $0x3C00  }
0x26: {  	[sflag:s17] =	ssyncset.done $0x0  }
0x27: {  	[sflag:s17] =	ssyncadd.s32 $0xFFFFC400  }
0x28: {  	_ =	swait.ge [sflag:s22], $0x3C00  }
0x29: {  	[sflag:s22] =	ssyncset.done $0x0  }
0x2a: {  	[sflag:s22] =	ssyncadd.s32 $0xFFFFC400  }
0x2b: {  	[bflag:$0x0] =	sbarrier.arrive $0xFFFF  }
0x2c: {  	s13 =	rddreg [dreg:$0x7]  }
0x2d: {  	s0 =	rddreg [dreg:$0xc]  }
0x2e: {  	s24 =	simm.s32 $0xD;
	s9 =	rddreg [dreg:$0x1a]  }
0x2f: {  	[hbm:s0], [sflag:s13] =	dma.local [spmem:s9], $0x2800  }
0x30: {  	_ =	swait.ge [sflag:s24], $0x2800  }
0x31: {  	s25 =	rddreg [dreg:$0x19]  }
0x32: {  	s26 =	rddreg [dreg:$0xd];
	s9 =	sadd.s32 $0x1, s25  }
0x33: {  	p0 =	sne.s32 s9, s26  }
.Ltmp1:
0x34: {  	_ = 	snop;
	(pc) =	sbr.rel @!p0 .LBB2_5-.Ltmp1, $3  }
0x35: {  	_ =	sdelay $0x1  }
0x36: {  	[sflag:s24] =	ssyncset.done $0x0  }
0x37: {  	s31 =	simm.s32 $0x14080;
	s14 =	simm.s32 $0x14380;
	[sflag:s24] =	ssyncadd.s32 $0xFFFFD800  }
.LBB2_1:
0x38: {  	[dreg:$0x19] =	wrdreg s9  }
0x39: {  	s0 =	rddreg [dreg:$0x6]  }
0x3a: {  	s26 =	rddreg [dreg:$0x1];
	s25 =	sshrl.u32 s0, $0x3  }
0x3b: {  	[dreg:$0x1a] =	wrdreg s25  }
0x3c: {  	[spmem:s25], [sflag:s13] =	dma.local [hbm:s26], $0x2800  }
0x3d: {  	_ =	swait.ge [sflag:s24], $0x2800  }
0x3e: {  	[sflag:s24] =	ssyncset.done $0x0  }
0x3f: {  	[sflag:s24] =	ssyncadd.s32 $0xFFFFD800  }
0x40: {  	[bflag:$0x0] =	sbarrier.arrive $0xFFFF  }
0x41: {  	s13 =	simm.s32 $0x14000;
	s25 =	rddreg [dreg:$0x8]  }
0x42: {  	[tilespmem:s13], [sflag:$0x1] =	stream.linear.gather [hbm4b:s25+s4], $0x78, $0x38;
	[tilespmem:$0x1FA00] =	vst v63  }
0x43: {  	s9 =	simm.s32 $0x14300;
	s26 =	rddreg [dreg:$0x9]  }
0x44: {  	[tilespmem:s9], [sflag:$0x1] =	stream.linear.gather [hbm4b:s26+s4], $0x78, $0x38;
	[tilespmem:$0x1FA00] =	vst v63  }
0x45: {  	s24 =	rddreg [dreg:$0xa]  }
0x46: {  	[tilespmem:s31], [sflag:$0x2] =	stream.linear.gather [hbm4b:s24+s4], $0x78, $0x38;
	[tilespmem:$0x1FA00] =	vst v63  }
0x47: {  	s25 =	rddreg [dreg:$0xb];
	s26 =	simm.s32 $0x1  }
0x48: {  	[tilespmem:s14], [sflag:$0x2] =	stream.linear.gather [hbm4b:s25+s4], $0x78, $0x38;
	[tilespmem:$0x1FA00] =	vst v63  }
0x49: {  	_ =	swait.ge [sflag:s26], $0x78  }
0x4a: {  	[sflag:s26] =	ssyncset.done $0x0  }
0x4b: {  	[sflag:s26] =	ssyncadd.s32 $0xFFFFFF88  }
0x4c: {  	_ =	swait.ge [sflag:s26], $0x78  }
0x4d: {  	[sflag:s26] =	ssyncset.done $0x0  }
0x4e: {  	s25 =	simm.s32 $0x0;
	s24 =	rddreg [dreg:$0x10];
	[sflag:s26] =	ssyncadd.s32 $0xFFFFFF88  }
0x4f: {  	[tilespmem:s8], [sflag:$0x7] =	stream.indirect.gather [hbm4b:s5+s2], $0x80, s13, s2, $0xb8;
	[tilespmem:$0x1FA00] =	vst v63  }
.LBB2_2:
0x50: {  	p0 =	seq.s32 s25, $0x0  }
0x51: {  	s26 =	simm.s32 @!p0 $0xB  }
0x52: {  	_ =	swait.ge @!p0 [sflag:s26], $0x3C00  }
0x53: {  	[sflag:s26] =	ssyncset.done @!p0 $0x0  }
0x54: {  	[sflag:s26] =	ssyncadd.s32 @!p0 $0xFFFFC400  }
0x55: {  	_ =	swait.ge [sflag:s10], $0x78  }
0x56: {  	[sflag:s10] =	ssyncset.done $0x0  }
0x57: {  	[sflag:s10] =	ssyncadd.s32 $0xFFFFFF88  }
0x58: {  	_ =	swait.ge [sflag:s10], $0x78  }
0x59: {  	[sflag:s10] =	ssyncset.done $0x0  }
0x5a: {  	[sflag:s10] =	ssyncadd.s32 $0xFFFFFF88  }
0x5b: {  	[tilespmem:s11], [sflag:$0x8] =	stream.indirect.gather [hbm4b:s5+s2], $0x80, s31, s2, $0xb8;
	[tilespmem:$0x1FA00] =	vst v63  }
0x5c: {  	_ =	swait.ge [sflag:s12], $0x3C00  }
0x5d: {  	[sflag:s12] =	ssyncset.done $0x0  }
0x5e: {  	s0 =	simm.s32 $0x14300;
	s9 =	rddreg [dreg:$0x18];
	[sflag:s12] =	ssyncadd.s32 $0xFFFFC400  }
0x5f: {  	[spmem:s3] =	stream.indirect.scatter.add.f32 [tilespmem:s8], [sflag:$0xA], $0x80, s0, s2, $0xb8;
	[tilespmem:$0x1FA00] =	vst v63  }
0x60: {  	s31 =	rddreg [dreg:$0x17];
	s13 =	sadd.s32 s25, s9;
	s9 =	simm.s32 $0x14100  }
0x61: {  	[tilespmem:s9], [sflag:$0x3] =	stream.linear.gather [hbm4b:s13+s4], $0x78, $0x38;
	[tilespmem:$0x1FA00] =	vst v63  }
0x62: {  	s26 =	simm.s32 @!p0 $0xC;
	s0 =	sadd.s32 s25, s31;
	s13 =	simm.s32 $0x14400  }
0x63: {  	[tilespmem:s13], [sflag:$0x3] =	stream.linear.gather [hbm4b:s0+s4], $0x78, $0x38;
	[tilespmem:$0x1FA00] =	vst v63  }
0x64: {  	_ =	swait.ge @!p0 [sflag:s26], $0x3C00  }
0x65: {  	[sflag:s26] =	ssyncset.done @!p0 $0x0  }
0x66: {  	[sflag:s26] =	ssyncadd.s32 @!p0 $0xFFFFC400  }
0x67: {  	_ =	swait.ge [sflag:s15], $0x78  }
0x68: {  	[sflag:s15] =	ssyncset.done $0x0  }
0x69: {  	[sflag:s15] =	ssyncadd.s32 $0xFFFFFF88  }
0x6a: {  	_ =	swait.ge [sflag:s15], $0x78  }
0x6b: {  	[sflag:s15] =	ssyncset.done $0x0  }
0x6c: {  	[sflag:s15] =	ssyncadd.s32 $0xFFFFFF88  }
0x6d: {  	[tilespmem:s18], [sflag:$0x9] =	stream.indirect.gather [hbm4b:s5+s2], $0x80, s9, s2, $0xb8;
	[tilespmem:$0x1FA00] =	vst v63  }
0x6e: {  	_ =	swait.ge [sflag:s29], $0x3C00  }
0x6f: {  	[sflag:s29] =	ssyncset.done $0x0  }
0x70: {  	s31 =	rddreg [dreg:$0x16];
	[sflag:s29] =	ssyncadd.s32 $0xFFFFC400  }
0x71: {  	[spmem:s3] =	stream.indirect.scatter.add.f32 [tilespmem:s11], [sflag:$0xB], $0x80, s14, s2, $0xb8;
	[tilespmem:$0x1FA00] =	vst v63  }
0x72: {  	s9 =	sadd.s32 s25, s31;
	s31 =	rddreg [dreg:$0x15];
	s14 =	simm.s32 $0x14180  }
0x73: {  	[tilespmem:s14], [sflag:$0x4] =	stream.linear.gather [hbm4b:s9+s4], $0x78, $0x38;
	[tilespmem:$0x1FA00] =	vst v63  }
0x74: {  	s0 =	sadd.s32 s25, s31  }
0x75: {  	[tilespmem:s28], [sflag:$0x4] =	stream.linear.gather [hbm4b:s0+s4], $0x78, $0x38;
	[tilespmem:$0x1FA00] =	vst v63  }
0x76: {  	_ =	swait.ge [sflag:s1], $0x3C00  }
0x77: {  	[sflag:s1] =	ssyncset.done $0x0  }
0x78: {  	[sflag:s1] =	ssyncadd.s32 $0xFFFFC400  }
0x79: {  	_ =	swait.ge [sflag:s30], $0x78  }
0x7a: {  	[sflag:s30] =	ssyncset.done $0x0  }
0x7b: {  	[sflag:s30] =	ssyncadd.s32 $0xFFFFFF88  }
0x7c: {  	_ =	swait.ge [sflag:s30], $0x78  }
0x7d: {  	[sflag:s30] =	ssyncset.done $0x0  }
0x7e: {  	[sflag:s30] =	ssyncadd.s32 $0xFFFFFF88  }
0x7f: {  	[tilespmem:s8], [sflag:$0x7] =	stream.indirect.gather [hbm4b:s5+s2], $0x80, s14, s2, $0xb8;
	[tilespmem:$0x1FA00] =	vst v63  }
0x80: {  	_ =	swait.ge [sflag:s6], $0x3C00  }
0x81: {  	[sflag:s6] =	ssyncset.done $0x0  }
0x82: {  	[sflag:s6] =	ssyncadd.s32 $0xFFFFC400  }
0x83: {  	[spmem:s3] =	stream.indirect.scatter.add.f32 [tilespmem:s18], [sflag:$0xC], $0x80, s13, s2, $0xb8;
	[tilespmem:$0x1FA00] =	vst v63  }
0x84: {  	s13 =	rddreg [dreg:$0x14]  }
0x85: {  	s31 =	rddreg [dreg:$0x13];
	s14 =	sadd.s32 s25, s13  }
0x86: {  	[tilespmem:s7], [sflag:$0x5] =	stream.linear.gather [hbm4b:s14+s4], $0x78, $0x38;
	[tilespmem:$0x1FA00] =	vst v63  }
0x87: {  	s9 =	sadd.s32 s25, s31  }
0x88: {  	[tilespmem:s16], [sflag:$0x5] =	stream.linear.gather [hbm4b:s9+s4], $0x78, $0x38;
	[tilespmem:$0x1FA00] =	vst v63  }
0x89: {  	_ =	swait.ge [sflag:s17], $0x3C00  }
0x8a: {  	[sflag:s17] =	ssyncset.done $0x0  }
0x8b: {  	[sflag:s17] =	ssyncadd.s32 $0xFFFFC400  }
0x8c: {  	_ =	swait.ge [sflag:s19], $0x78  }
0x8d: {  	[sflag:s19] =	ssyncset.done $0x0  }
0x8e: {  	[sflag:s19] =	ssyncadd.s32 $0xFFFFFF88  }
0x8f: {  	_ =	swait.ge [sflag:s19], $0x78  }
0x90: {  	[sflag:s19] =	ssyncset.done $0x0  }
0x91: {  	[sflag:s19] =	ssyncadd.s32 $0xFFFFFF88  }
0x92: {  	[tilespmem:s11], [sflag:$0x8] =	stream.indirect.gather [hbm4b:s5+s2], $0x80, s7, s2, $0xb8;
	[tilespmem:$0x1FA00] =	vst v63  }
0x93: {  	_ =	swait.ge [sflag:s12], $0x3C00  }
0x94: {  	[sflag:s12] =	ssyncset.done $0x0  }
0x95: {  	s13 =	rddreg [dreg:$0x12];
	[sflag:s12] =	ssyncadd.s32 $0xFFFFC400  }
0x96: {  	[spmem:s3] =	stream.indirect.scatter.add.f32 [tilespmem:s8], [sflag:$0xA], $0x80, s28, s2, $0xb8;
	[tilespmem:$0x1FA00] =	vst v63  }
0x97: {  	s26 =	rddreg [dreg:$0x11];
	s14 =	sadd.s32 s25, s13  }
0x98: {  	[tilespmem:s20], [sflag:$0x6] =	stream.linear.gather [hbm4b:s14+s4], $0x78, $0x38;
	[tilespmem:$0x1FA00] =	vst v63  }
0x99: {  	s31 =	sadd.s32 s25, s26  }
0x9a: {  	[tilespmem:s21], [sflag:$0x6] =	stream.linear.gather [hbm4b:s31+s4], $0x78, $0x38;
	[tilespmem:$0x1FA00] =	vst v63  }
0x9b: {  	_ =	swait.ge [sflag:s22], $0x3C00  }
0x9c: {  	[sflag:s22] =	ssyncset.done $0x0  }
0x9d: {  	[sflag:s22] =	ssyncadd.s32 $0xFFFFC400  }
0x9e: {  	_ =	swait.ge [sflag:s23], $0x78  }
0x9f: {  	[sflag:s23] =	ssyncset.done $0x0  }
0xa0: {  	[sflag:s23] =	ssyncadd.s32 $0xFFFFFF88  }
0xa1: {  	_ =	swait.ge [sflag:s23], $0x78  }
0xa2: {  	[sflag:s23] =	ssyncset.done $0x0  }
0xa3: {  	[sflag:s23] =	ssyncadd.s32 $0xFFFFFF88  }
0xa4: {  	[tilespmem:s18], [sflag:$0x9] =	stream.indirect.gather [hbm4b:s5+s2], $0x80, s20, s2, $0xb8;
	[tilespmem:$0x1FA00] =	vst v63  }
0xa5: {  	_ =	swait.ge [sflag:s29], $0x3C00  }
0xa6: {  	p0 =	seq.s32 s25, $0x492;
	[sflag:s29] =	ssyncset.done $0x0  }
0xa7: {  	s26 =	simm.s32 @p0 $0xA;
	[sflag:s29] =	ssyncadd.s32 $0xFFFFC400  }
0xa8: {  	[spmem:s3] =	stream.indirect.scatter.add.f32 [tilespmem:s11], [sflag:$0xB], $0x80, s16, s2, $0xb8;
	[tilespmem:$0x1FA00] =	vst v63  }
0xa9: {  	_ =	swait.ge @p0 [sflag:s26], $0x3C00  }
0xaa: {  	[sflag:s26] =	ssyncset.done @p0 $0x0  }
0xab: {  	s0 =	rddreg [dreg:$0x4];
	[sflag:s26] =	ssyncadd.s32 @p0 $0xFFFFC400;
	s26 =	sshrl.u32 @!p0 s24, $0x3  }
0xac: {  	s13 =	simm.s32 @!p0 $0x14000;
	s31 =	sadd.s32 @!p0 s0, s26;
	s0 =	simm.s32 @!p0 $0x0  }
0xad: {  	[tilespmem:s13], [sflag:$0x1] =	stream.linear.gather @!p0 [hbm4b:s31+s0], $0x78, $0x38;
	[tilespmem:$0x1FA00] =	vst v63  }
0xae: {  	s31 =	rddreg [dreg:$0x5]  }
0xaf: {  	s26 =	sadd.s32 @!p0 s31, s26;
	s31 =	simm.s32 @!p0 $0x14300  }
0xb0: {  	[tilespmem:s31], [sflag:$0x1] =	stream.linear.gather @!p0 [hbm4b:s26+s0], $0x78, $0x38;
	[tilespmem:$0x1FA00] =	vst v63  }
0xb1: {  	s0 =	simm.s32 @!p0 $0xA  }
0xb2: {  	_ =	swait.ge @!p0 [sflag:s0], $0x3C00  }
0xb3: {  	[sflag:s0] =	ssyncset.done @!p0 $0x0  }
0xb4: {  	[sflag:s0] =	ssyncadd.s32 @!p0 $0xFFFFC400;
	s0 =	simm.s32 @!p0 $0x1  }
0xb5: {  	_ =	swait.ge @!p0 [sflag:s0], $0x78  }
0xb6: {  	[sflag:s0] =	ssyncset.done @!p0 $0x0  }
0xb7: {  	[sflag:s0] =	ssyncadd.s32 @!p0 $0xFFFFFF88  }
0xb8: {  	_ =	swait.ge @!p0 [sflag:s0], $0x78  }
0xb9: {  	[sflag:s0] =	ssyncset.done @!p0 $0x0  }
0xba: {  	s26 =	simm.s32 @!p0 $0x14600;
	[sflag:s0] =	ssyncadd.s32 @!p0 $0xFFFFFF88;
	s0 =	simm.s32 @!p0 $0x78  }
0xbb: {  	[tilespmem:s26], [sflag:$0x7] =	stream.indirect.gather @!p0 [hbm4b:s5+s0], $0x80, s13, s0, $0xb8;
	[tilespmem:$0x1FA00] =	vst v63  }
.Ltmp2:
0xbc: {  	_ = 	snop;
	(pc) =	sbr.rel @p0 .LBB2_4-.Ltmp2, $4  }
0xbd: {  	_ =	swait.ge [sflag:s6], $0x3C00  }
0xbe: {  	[sflag:s6] =	ssyncset.done $0x0  }
0xbf: {  	s9 =	simm.s32 $0x14380;
	s14 =	simm.s32 $0x14080;
	[sflag:s6] =	ssyncadd.s32 $0xFFFFC400  }
0xc0: {  	[spmem:s3] =	stream.indirect.scatter.add.f32 [tilespmem:s18], [sflag:$0xC], $0x80, s21, s2, $0xb8;
	[tilespmem:$0x1FA00] =	vst v63  }
0xc1: {  	s0 =	rddreg [dreg:$0xf]  }
.Ltmp3:
0xc2: {  	s26 =	rddreg [dreg:$0xe];
	(pc) =	sbr.rel .LBB2_2-.Ltmp3, $4  }
0xc3: {  	s24 =	sadd.s32 $0x2D0, s24;
	s31 =	simm.s32 $0x14080;
	s0 =	sadd.s32 s25, s0  }
0xc4: {  	[tilespmem:s14], [sflag:$0x2] =	stream.linear.gather [hbm4b:s0+s4], $0x78, $0x38;
	[tilespmem:$0x1FA00] =	vst v63  }
0xc5: {  	s0 =	sadd.s32 s25, s26;
	s25 =	sadd.s32 $0x5A, s25;
	s14 =	simm.s32 $0x14380  }
0xc6: {  	[tilespmem:s9], [sflag:$0x2] =	stream.linear.gather [hbm4b:s0+s4], $0x78, $0x38;
	[tilespmem:$0x1FA00] =	vst v63  }
.LBB2_5:
0xc7: {  	_ =	sfence.sel $0x180000  }
0xc8: {  	[bflag:$0x0] =	sbarrier.arrive $0xFFFF  }
0xc9: {  	_ =	strace $0x9000004A  }
0xca: {  	s0 =	stileid.u32;
	[bflag:$0x2] =	sbarrier.arrive $0xFFFF  }
0xcb: {  	p0 =	sne.s32 s0, $0x0;
	s0 =	rddreg [dreg:$0x3]  }
0xcc: {  	s0 =	sadd.s32 @!p0 $0x100000, s0  }
0xcd: {  	[sflag:s0] =	ssyncadd.tile.s32 @!p0 $0x1;
	_ =	shalt  }
.Lfunc_end2:
_tile_overlayer_lowered:
.L_overlay_start_2:
0xce: {  	(tag) =	ssettag $0x2  }
0xcf: {  	s0 =	rddreg [dreg:$0x0];
	s2 =	stileid.u32  }
0xd0: {  	s1 =	rddreg [dreg:$0x1];
	p0 =	sne.s32 s2, $0x0  }
0xd1: {  	s3 =	rddreg [dreg:$0x2];
	[bflag:$0x3] =	sbarrier.arrive $0xFFFF;
	s2 =	simm.s32 @!p0 $0x1C0D  }
0xd2: {  	[timem:s3], [sflag:s2] =	dma.local @!p0 [hbm:s0], s1  }
0xd3: {  	s0 =	simm.s32 @!p0 $0xD  }
0xd4: {  	_ =	swait.ge @!p0 [sflag:s0], s1  }
0xd5: {  	s1 =	ssub.s32 @!p0 $0x0, s1;
	[sflag:s0] =	ssyncset.done @!p0 $0x0  }
0xd6: {  	[sflag:s0] =	ssyncadd.s32 @!p0 s1  }
0xd7: {  	[bflag:$0x3] =	sbarrier.arrive $0xFFFF  }
0xd8: {  	_ =	shalt  }

// kernel: kernel.14.cloned.1.call-start
scs
__scs_entry_jumppad:
0x0: {  	(pc) =	sbr.rel $0x88, $3  }
0x1: {  	(tag) =	ssettag $0x0;
	lr =	simm.s32 $0x1  }
0x2: {  	[smem:$0x3F98] =	sst lr;
	_ =	strace $0xD0000000  }
0x3: {  	_ = 	snop  }
0x4: {  	_ = 	snop  }
0x5: {  	_ = 	snop  }
0x6: {  	_ = 	snop  }
0x7: {  	_ = 	snop  }
__scs_overlays_trampoline_lowered:
0x8: {  	[smem:$0x3FA7] =	sst s0  }
0x9: {  	[smem:$0x3FA8] =	sst s1  }
0xa: {  	[smem:$0x3FA9] =	sst s2  }
0xb: {  	[smem:$0x3FAA] =	sst s3  }
0xc: {  	[smem:$0x3FAB] =	sst s4  }
0xd: {  	[smem:$0x3FAC] =	sst s5  }
0xe: {  	[smem:$0x3FAD] =	sst s6  }
0xf: {  	[smem:$0x3FAE] =	sst s7  }
0x10: {  	[smem:$0x3FAF] =	sst s8  }
0x11: {  	[smem:$0x3FB0] =	sst s9;
	s0 =	simm.s32 @!p0 $0x0  }
0x12: {  	s1 =	sld [smem:$0x3F96];
	s0 =	simm.s32 @p0 $0x1  }
0x13: {  	[smem:$0x3FB1] =	sst s0;
	s0 =	simm.s32 @!p1 $0x0  }
0x14: {  	s2 =	sld [smem:$0x3F95];
	s0 =	simm.s32 @p1 $0x1  }
0x15: {  	[smem:$0x3FB2] =	sst s0;
	s0 =	simm.s32 @!p2 $0x0  }
0x16: {  	s3 =	sld [smem:$0x3FDB];
	s0 =	simm.s32 @p2 $0x1  }
0x17: {  	s4 =	simm.s32 $0x1BF5;
	[smem:$0x3FB4] =	sst s0  }
0x18: {  	s0 =	sld [smem:$0x3F97];
	_ =	swait.ge [sflag:s4], $0x0  }
0x19: {  	s7 =	sld [smem:$0x3F98]  }
0x1a: {  	s8 =	sadd.s32 $0xFFFFE003, lr  }
0x1b: {  	s9 =	sadd.s32 $0xFFFFFEF7, lr;
	s5 =	simm.s32 $0xFFFFFFFF;
	p2 =	slt.u32 s8, $0xFFFFF086  }
0x1c: {  	p1 =	slt.u32 s9, $0xF7A;
	s5 =	simm.s32 @!p2 $0x0  }
0x1d: {  	s5 =	simm.s32 @p1 $0x1;
	p0 =	seq.s32 s7, s2  }
0x1e: {  	s7 =	smul.u32 @!p0 $0xF7A, s2;
	p2 =	seq.s32 @!p0 s5, $0x0  }
0x1f: {  	s9 =	smul.u32 $0xF7A, s1;
	s8 =	simm.s32 @!p0 $0x1BF5;
	p2 =	por !p2, p0  }
0x20: {  	[sflag:s8] =	ssyncset.s32 @!p0 $0xFFFFF086;
	s6 =	sadd.s32 @!p0 s3, s7;
	s7 =	simm.s32 @!p0 $0x108  }
0x21: {  	s3 =	sadd.s32 s3, s9;
	s6 =	sadd.s32 @!p0 $0x88, s6;
	s7 =	simm.s32 @p2 $0x1082  }
0x22: {  	[simem:s7], [sflag:s8] =	dma.local @!p0 [hbm:s6], $0xF7A  }
0x23: {  	s9 =	sor.u32 $0xD0000000, s2;
	s6 =	simm.s32 $0x108;
	_ =	swait.ge @!p0 [sflag:s8], $0x0  }
0x24: {  	s3 =	sadd.s32 $0x88, s3;
	s6 =	simm.s32 @!p1 $0x1082;
	[sflag:s4] =	ssyncset.s32 $0xFFFFF086  }
0x25: {  	[simem:s6], [sflag:s4] =	dma.local [hbm:s3], $0xF7A  }
0x26: {  	[smem:$0x3F98] =	sst s1;
	(tag) =	ssettag s2;
	_ =	strace s9  }
0x27: {  	s1 =	sld [smem:$0x3FA8]  }
0x28: {  	s2 =	sld [smem:$0x3FA9]  }
0x29: {  	s4 =	sld [smem:$0x3FAB]  }
0x2a: {  	p0 =	seq.s32 s5, $0x0;
	s5 =	sld [smem:$0x3FAC]  }
0x2b: {  	s6 =	sld [smem:$0x3FAD]  }
0x2c: {  	s7 =	sld [smem:$0x3FAE]  }
0x2d: {  	s3 =	simm.s32 $0x108;
	s8 =	sld [smem:$0x3FAF]  }
0x2e: {  	s3 =	simm.s32 @!p0 $0x1082;
	s9 =	sld [smem:$0x3FB0]  }
0x2f: {  	lr =	sadd.s32 s0, s3;
	s0 =	sld [smem:$0x3FA7]  }
0x30: {  	s3 =	sld [smem:$0x3FAA]  }
0x31: {  	[smem:$0x3FB3] =	sst s10  }
0x32: {  	s10 =	sld [smem:$0x3FB1];
	_ =	sdelay $0x3  }
0x33: {  	p0 =	seq.s32 s10, $0x1;
	s10 =	sld [smem:$0x3FB3];
	_ =	sdelay $0x3  }
0x34: {  	[smem:$0x3FB3] =	sst s10  }
0x35: {  	s10 =	sld [smem:$0x3FB2];
	_ =	sdelay $0x3  }
0x36: {  	p1 =	seq.s32 s10, $0x1;
	s10 =	sld [smem:$0x3FB3];
	_ =	sdelay $0x3  }
0x37: {  	[smem:$0x3FB3] =	sst s10  }
0x38: {  	s10 =	sld [smem:$0x3FB4]  }
0x39: {  	_ = 	snop;
	(pc) =	sbr.ind lr, $3  }
0x3a: {  	_ = 	snop  }
0x3b: {  	_ = 	snop  }
0x3c: {  	p2 =	seq.s32 s10, $0x1;
	s10 =	sld [smem:$0x3FB3]  }
0x3d: {  	_ =	shalt  }
0x3e: {  	_ =	shalt  }
0x3f: {  	_ =	shalt  }
0x40: {  	_ =	shalt  }
0x41: {  	_ =	shalt  }
0x42: {  	_ =	shalt  }
0x43: {  	_ =	shalt  }
0x44: {  	_ =	shalt  }
0x45: {  	_ =	shalt  }
0x46: {  	_ =	shalt  }
0x47: {  	_ =	shalt  }
0x48: {  	_ =	shalt  }
0x49: {  	_ =	shalt  }
0x4a: {  	_ =	shalt  }
0x4b: {  	_ =	shalt  }
0x4c: {  	_ =	shalt  }
0x4d: {  	_ =	shalt  }
0x4e: {  	_ =	shalt  }
0x4f: {  	_ =	shalt  }
0x50: {  	_ =	shalt  }
0x51: {  	_ =	shalt  }
0x52: {  	_ =	shalt  }
0x53: {  	_ =	shalt  }
0x54: {  	_ =	shalt  }
0x55: {  	_ =	shalt  }
0x56: {  	_ =	shalt  }
0x57: {  	_ =	shalt  }
0x58: {  	_ =	shalt  }
0x59: {  	_ =	shalt  }
0x5a: {  	_ =	shalt  }
0x5b: {  	_ =	shalt  }
0x5c: {  	_ =	shalt  }
0x5d: {  	_ =	shalt  }
0x5e: {  	_ =	shalt  }
0x5f: {  	_ =	shalt  }
0x60: {  	_ =	shalt  }
0x61: {  	_ =	shalt  }
0x62: {  	_ =	shalt  }
0x63: {  	_ =	shalt  }
0x64: {  	_ =	shalt  }
0x65: {  	_ =	shalt  }
0x66: {  	_ =	shalt  }
0x67: {  	_ =	shalt  }
0x68: {  	_ =	shalt  }
0x69: {  	_ =	shalt  }
0x6a: {  	_ =	shalt  }
0x6b: {  	_ =	shalt  }
0x6c: {  	_ =	shalt  }
0x6d: {  	_ =	shalt  }
0x6e: {  	_ =	shalt  }
0x6f: {  	_ =	shalt  }
0x70: {  	_ =	shalt  }
0x71: {  	_ =	shalt  }
0x72: {  	_ =	shalt  }
0x73: {  	_ =	shalt  }
0x74: {  	_ =	shalt  }
0x75: {  	_ =	shalt  }
0x76: {  	_ =	shalt  }
0x77: {  	_ =	shalt  }
0x78: {  	_ =	shalt  }
0x79: {  	_ =	shalt  }
0x7a: {  	_ =	shalt  }
0x7b: {  	_ =	shalt  }
0x7c: {  	_ =	shalt  }
0x7d: {  	_ =	shalt  }
0x7e: {  	_ =	shalt  }
0x7f: {  	_ =	shalt  }
0x80: {  	_ =	shalt  }
0x81: {  	_ =	shalt  }
0x82: {  	_ =	shalt  }
0x83: {  	_ =	shalt  }
0x84: {  	_ =	shalt  }
0x85: {  	_ =	shalt  }
0x86: {  	_ =	shalt  }
0x87: {  	_ =	shalt  }
.Lfunc_end0:
.L_simem_size_0:
called_computation.2_lowered:
.L_overlay_start_0:
0x88: {  	s2 =	sld [smem:$0x3FD9]  }
0x89: {  	s3 =	sld [smem:$0x3FFE];
	_ =	sdelay $0x1  }
0x8a: {  	s1 =	srdreg.scid  }
0x8b: {  	s0 =	sand.u32 $0x1, s1  }
0x8c: {  	s14 =	sshll.u32 s0, $0xA;
	s2 =	sadd.s32 s3, s2  }
0x8d: {  	s2 =	sadd.s32 s2, s14  }
0x8e: {  	[smem:$0x3FBF] =	sst s2  }
0x8f: {  	_ = 	snop  }
0x90: {  	s2 =	sld [smem:$0x3FD0];
	_ =	sdelay $0x2  }
0x91: {  	s15 =	simm.s32 $0xA;
	s4 =	simm.s32 $0x10  }
0x92: {  	[smem:s4], [sflag:s15] =	dma.local [hbm:s2], $0x1  }
0x93: {  	_ =	swait.eq [sflag:s15], $0x1  }
0x94: {  	[sflag:s15] =	ssyncset.done $0x0  }
0x95: {  	[sflag:s15] =	ssyncadd.s32 $0xFFFFFFFF  }
0x96: {  	s16 =	sld [smem:$0x11];
	(tm) =	ssettm $0x1  }
0x97: {  	s17 =	sld [smem:$0x3FFB];
	_ =	sdelay $0x3  }
0x98: {  	_ =	strace s17  }
0x99: {  	s3 =	sld [smem:$0x3FFC];
	_ =	sdelay $0x3  }
0x9a: {  	_ =	strace s3  }
0x9b: {  	s3 =	sld [smem:$0x3FFD];
	_ =	sdelay $0x3  }
0x9c: {  	_ =	strace s3  }
0x9d: {  	_ =	strace $0x8FFFFFFF  }
0x9e: {  	s18 =	sld [smem:$0x3FDB];
	_ =	sdelay $0x1  }
0x9f: {  	s19 =	simm.s32 $_scs_section_size  }
0xa0: {  	s5 =	simm.s32 $_size__tile_overlayer_lowered;
	s6 =	simm.s32 $_tile_overlayer_lowered  }
0xa1: {  	s22 =	simm.s32 $0x1BFF;
	s21 =	sshll.u32 s6, $0x1;
	s3 =	sadd.s32 s19, s18  }
0xa2: {  	s7 =	simm.s32 $0x0;
	s20 =	sshll.u32 s5, $0x1;
	s5 =	sadd.s32 s21, s3  }
0xa3: {  	[timem:s7], [sflag:s22] =	dma.local [hbm:s5], s20  }
0xa4: {  	_ =	swait.ge [sflag:s22], s20  }
0xa5: {  	s4 =	ssub.s32 $0x0, s20;
	[sflag:s22] =	ssyncset.done $0x0  }
0xa6: {  	[sflag:s22] =	ssyncadd.s32 s4;
	_ =	sdelay $0x1  }
0xa7: {  	s23 =	simm.s32 $0x1B8B  }
0xa8: {  	_ =	swait.ge [sflag:s23], $0x1  }
0xa9: {  	[sflag:s23] =	ssyncset.done $0x0  }
0xaa: {  	s25 =	simm.s32 $0x1B8E;
	s24 =	sld [smem:$0x3FFE];
	[sflag:s23] =	ssyncadd.s32 $0xFFFFFFFF  }
0xab: {  	s26 =	simm.s32 $execute0_lowered;
	[smem:$0x3FD2] =	sst s25  }
0xac: {  	s5 =	sshll.u32 s26, $0x1;
	_ =	strace $0x8000004C;
	[dreg:$0x1] =	wrdreg $0xFFFFFFFF  }
0xad: {  	s28 =	simm.s32 $_size_execute0_lowered;
	s3 =	sadd.s32 s3, s5;
	[dreg:$0x0] =	wrdreg $0x0  }
0xae: {  	s5 =	sshll.u32 s28, $0x1;
	[dreg:$0x2] =	wrdreg s3  }
0xaf: {  	[dreg:$0x3] =	wrdreg s5  }
0xb0: {  	[dreg:$0x4] =	wrdreg $0xC0  }
0xb1: {  	_ =	task [dreg:s7], $0x5FFFF  }
0xb2: {  	[dreg:$0x1] =	wrdreg $0xFFFFFFFF  }
0xb3: {  	[dreg:$0x0] =	wrdreg $0x60  }
0xb4: {  	[dreg:$0x2] =	wrdreg s24  }
0xb5: {  	[dreg:$0x3] =	wrdreg s16  }
0xb6: {  	[dreg:$0x4] =	wrdreg $0x0  }
0xb7: {  	[dreg:$0x5] =	wrdreg $0x9  }
0xb8: {  	_ =	task.clear_ibuf [dreg:s7], $0x6FFFF;
	_ =	strace $0x9000004C  }
0xb9: {  	s29 =	simm.s32 $0x9;
	_ =	strace $0x8000004E  }
0xba: {  	_ =	swait.ge [sflag:s29], $0x1  }
0xbb: {  	[sflag:s29] =	ssyncadd.s32 $0xFFFFFFFF  }
0xbc: {  	_ =	strace $0x9000004E  }
0xbd: {  	_ =	sfence  }
0xbe: {  	s30 =	sld [smem:$0x0];
	_ =	sdelay $0x2  }
0xbf: {  	s31 =	sshll.u32 s1, $0xD;
	s1 =	sshrl.u32 s1, $0x2  }
0xc0: {  	s3 =	sand.u32 $0x4000, s31;
	s1 =	sadd.s32 s1, s30  }
0xc1: {  	s0 =	sor.u32 s3, s0;
	s1 =	sshll.u32 s1, $0x11  }
0xc2: {  	s0 =	sor.u32 s1, s0  }
0xc3: {  	s0 =	sadd.s32 $0x8F2B, s0  }
0xc4: {  	[sflag:s0] =	ssyncadd.remote.s32 $0x1  }
0xc5: {  	_ =	sfence.sel $0xFFFF  }
0xc6: {  	[dreg:$0x0] =	wrdreg $0xFFFFFFFF;
	(pc) =	sbr.abs _section_cstart, $3  }
0xc7: {  	[dreg:$0x1] =	wrdreg $0xFFFFFFFF  }
0xc8: {  	_ =	task.clear_ibuf [dreg:s7], $0x2FFFF;
	_ =	strace $0x9FFFFFFF  }
0xc9: {  	(tm) =	ssettm $0x7FFFFFFF  }
tec
execute0_lowered:
.L_overlay_start_1:
0x0: {  	(tag) =	ssettag $0x1  }
0x1: {  	s0 =	rddreg [dreg:$0x0];
	s1 =	srdreg.scid  }
0x2: {  	s3 =	rddreg [dreg:$0x2];
	s9 =	stileid.u32  }
0x3: {  	s4 =	simm.s32 $0x0;
	s31 =	simm.s32 $0x14080;
	s29 =	simm.s32 $0x8  }
0x4: {  	s28 =	simm.s32 $0x14480;
	s30 =	simm.s32 $0x4;
	s1 =	sand.u32 $0x1, s1  }
0x5: {  	s6 =	smul.u32 $0x14000, s9;
	[smem:$0x7FF] =	sst s4;
	s5 =	sadd.s32 $0x16600, s0  }
0x6: {  	s10 =	sadd.s32 $0x2A00, s0;
	s11 =	sadd.s32 $0xC800, s0;
	s8 =	smul.u32 $0x50000, s9  }
0x7: {  	s22 =	sshll.u32 s9, $0x6;
	s2 =	smul.u32 $0x140000, s1;
	_ =	strace $0x8000004D  }
0x8: {  	s19 =	ssub.s32 $0x2, s1;
	s7 =	sshll.u32 s1, $0x4;
	[dreg:$0x5] =	wrdreg s11  }
0x9: {  	s1 =	smul.u32 $0x27600, s1;
	s13 =	sor.u32 $0x1C0D, s22;
	[dreg:$0x4] =	wrdreg s10  }
0xa: {  	s20 =	sshrl.u32 s19, $0x1;
	s7 =	sor.u32 s9, s7;
	s21 =	sshrl.u32 s8, $0x2  }
0xb: {  	s9 =	smul.u32 $0x2760, s9;
	[dreg:$0x7] =	wrdreg s13;
	s2 =	sadd.s32 s6, s2  }
0xc: {  	s7 =	smul.u32 $0x2760, s7;
	s6 =	sadd.s32 s21, s3;
	s2 =	sshrl.u32 s2, $0x3  }
0xd: {  	[dreg:$0x6] =	wrdreg s6;
	s1 =	sadd.s32 s9, s1;
	s9 =	simm.s32 $0x0  }
0xe: {  	s0 =	sadd.s32 s2, s0;
	s2 =	ssub.s32 s19, s20;
	s23 =	sshrl.u32 s7, $0x3  }
0xf: {  	s7 =	sadd.s32 $0x78, s7;
	s12 =	sadd.s32 $0x348, s1;
	s14 =	sadd.s32 $0x258, s1  }
0x10: {  	s17 =	sadd.s32 $0x2D0, s1;
	s19 =	sadd.s32 $0x1E0, s1;
	s21 =	sadd.s32 $0x168, s1  }
0x11: {  	s1 =	sadd.s32 $0xF0, s1;
	s24 =	sadd.s32 s10, s23;
	s25 =	sshrl.u32 s7, $0x3  }
0x12: {  	s26 =	sadd.s32 s11, s23;
	s0 =	sadd.s32 $0x3E600, s0;
	s2 =	smax.u32 s2, $0x1  }
0x13: {  	s16 =	sshrl.u32 s14, $0x3;
	[dreg:$0x10] =	wrdreg s17;
	s20 =	sshrl.u32 s19, $0x3  }
0x14: {  	s14 =	simm.s32 $0x14380;
	s7 =	simm.s32 $0x14200;
	[dreg:$0x8] =	wrdreg s24  }
0x15: {  	s17 =	simm.s32 $0xB;
	s19 =	simm.s32 $0x5;
	[dreg:$0x9] =	wrdreg s26  }
0x16: {  	s8 =	sadd.s32 s10, s25;
	s6 =	sadd.s32 s11, s25;
	[dreg:$0xc] =	wrdreg s0  }
0x17: {  	[dreg:$0xd] =	wrdreg s2;
	s0 =	sshrl.u32 s12, $0x3;
	s18 =	sadd.s32 s16, s11  }
0x18: {  	s22 =	sadd.s32 s20, s11;
	s2 =	sshrl.u32 s21, $0x3;
	[dreg:$0xa] =	wrdreg s8  }
0x19: {  	s24 =	sshrl.u32 s1, $0x3;
	s12 =	simm.s32 $0x7;
	[dreg:$0xb] =	wrdreg s6  }
0x1a: {  	s1 =	simm.s32 $0xA;
	s21 =	simm.s32 $0x14580;
	[dreg:$0x11] =	wrdreg s18  }
0x1b: {  	s15 =	sadd.s32 s0, s11;
	s0 =	sadd.s32 s0, s10;
	[dreg:$0x13] =	wrdreg s22  }
0x1c: {  	s23 =	sadd.s32 s2, s11;
	s25 =	sadd.s32 s2, s10;
	s26 =	sadd.s32 s24, s11  }
0x1d: {  	s2 =	simm.s32 $0x78;
	s8 =	simm.s32 $0x14600;
	[dreg:$0xe] =	wrdreg s15  }
0x1e: {  	s11 =	simm.s32 $0x18200;
	s18 =	simm.s32 $0x1BE00;
	[dreg:$0xf] =	wrdreg s0  }
0x1f: {  	s6 =	simm.s32 $0x9;
	s22 =	simm.s32 $0xC;
	[dreg:$0x15] =	wrdreg s23  }
.Ltmp0:
0x20: {  	s0 =	sadd.s32 s16, s10;
	[dreg:$0x16] =	wrdreg s25;
	(pc) =	sbr.rel .LBB2_1-.Ltmp0, $4  }
0x21: {  	[dreg:$0x17] =	wrdreg s26;
	s15 =	simm.s32 $0x3;
	s16 =	simm.s32 $0x14500  }
0x22: {  	s23 =	simm.s32 $0x6;
	[dreg:$0x12] =	wrdreg s0;
	s0 =	sadd.s32 s20, s10  }
0x23: {  	s20 =	simm.s32 $0x14280;
	[dreg:$0x14] =	wrdreg s0;
	s0 =	sadd.s32 s24, s10  }
0x24: {  	s24 =	simm.s32 $0xD;
	s10 =	simm.s32 $0x2;
	[dreg:$0x18] =	wrdreg s0  }
.LBB2_4:
0x25: {  	_ =	swait.ge [sflag:s17], $0x3C00  }
0x26: {  	[sflag:s17] =	ssyncset.done $0x0  }
0x27: {  	[sflag:s17] =	ssyncadd.s32 $0xFFFFC400  }
0x28: {  	_ =	swait.ge [sflag:s22], $0x3C00  }
0x29: {  	[sflag:s22] =	ssyncset.done $0x0  }
0x2a: {  	[sflag:s22] =	ssyncadd.s32 $0xFFFFC400  }
0x2b: {  	[bflag:$0x0] =	sbarrier.arrive $0xFFFF  }
0x2c: {  	s13 =	rddreg [dreg:$0x7]  }
0x2d: {  	s0 =	rddreg [dreg:$0xc]  }
0x2e: {  	s24 =	simm.s32 $0xD;
	s9 =	rddreg [dreg:$0x1a]  }
0x2f: {  	[hbm:s0], [sflag:s13] =	dma.local [spmem:s9], $0x2800  }
0x30: {  	_ =	swait.ge [sflag:s24], $0x2800  }
0x31: {  	s25 =	rddreg [dreg:$0x19]  }
0x32: {  	s26 =	rddreg [dreg:$0xd];
	s9 =	sadd.s32 $0x1, s25  }
0x33: {  	p0 =	sne.s32 s9, s26  }
.Ltmp1:
0x34: {  	_ = 	snop;
	(pc) =	sbr.rel @!p0 .LBB2_5-.Ltmp1, $3  }
0x35: {  	_ =	sdelay $0x1  }
0x36: {  	[sflag:s24] =	ssyncset.done $0x0  }
0x37: {  	s31 =	simm.s32 $0x14080;
	s14 =	simm.s32 $0x14380;
	[sflag:s24] =	ssyncadd.s32 $0xFFFFD800  }
.LBB2_1:
0x38: {  	[dreg:$0x19] =	wrdreg s9  }
0x39: {  	s0 =	rddreg [dreg:$0x6]  }
0x3a: {  	s26 =	rddreg [dreg:$0x1];
	s25 =	sshrl.u32 s0, $0x3  }
0x3b: {  	[dreg:$0x1a] =	wrdreg s25  }
0x3c: {  	[spmem:s25], [sflag:s13] =	dma.local [hbm:s26], $0x2800  }
0x3d: {  	_ =	swait.ge [sflag:s24], $0x2800  }
0x3e: {  	[sflag:s24] =	ssyncset.done $0x0  }
0x3f: {  	[sflag:s24] =	ssyncadd.s32 $0xFFFFD800  }
0x40: {  	[bflag:$0x0] =	sbarrier.arrive $0xFFFF  }
0x41: {  	s13 =	simm.s32 $0x14000;
	s25 =	rddreg [dreg:$0x8]  }
0x42: {  	[tilespmem:s13], [sflag:$0x1] =	stream.linear.gather [hbm4b:s25+s4], $0x78, $0x38;
	[tilespmem:$0x1FA00] =	vst v63  }
0x43: {  	s9 =	simm.s32 $0x14300;
	s26 =	rddreg [dreg:$0x9]  }
0x44: {  	[tilespmem:s9], [sflag:$0x1] =	stream.linear.gather [hbm4b:s26+s4], $0x78, $0x38;
	[tilespmem:$0x1FA00] =	vst v63  }
0x45: {  	s24 =	rddreg [dreg:$0xa]  }
0x46: {  	[tilespmem:s31], [sflag:$0x2] =	stream.linear.gather [hbm4b:s24+s4], $0x78, $0x38;
	[tilespmem:$0x1FA00] =	vst v63  }
0x47: {  	s25 =	rddreg [dreg:$0xb];
	s26 =	simm.s32 $0x1  }
0x48: {  	[tilespmem:s14], [sflag:$0x2] =	stream.linear.gather [hbm4b:s25+s4], $0x78, $0x38;
	[tilespmem:$0x1FA00] =	vst v63  }
0x49: {  	_ =	swait.ge [sflag:s26], $0x78  }
0x4a: {  	[sflag:s26] =	ssyncset.done $0x0  }
0x4b: {  	[sflag:s26] =	ssyncadd.s32 $0xFFFFFF88  }
0x4c: {  	_ =	swait.ge [sflag:s26], $0x78  }
0x4d: {  	[sflag:s26] =	ssyncset.done $0x0  }
0x4e: {  	s25 =	simm.s32 $0x0;
	s24 =	rddreg [dreg:$0x10];
	[sflag:s26] =	ssyncadd.s32 $0xFFFFFF88  }
0x4f: {  	[tilespmem:s8], [sflag:$0x7] =	stream.indirect.gather [hbm4b:s5+s2], $0x80, s13, s2, $0xb8;
	[tilespmem:$0x1FA00] =	vst v63  }
.LBB2_2:
0x50: {  	p0 =	seq.s32 s25, $0x0  }
0x51: {  	s26 =	simm.s32 @!p0 $0xB  }
0x52: {  	_ =	swait.ge @!p0 [sflag:s26], $0x3C00  }
0x53: {  	[sflag:s26] =	ssyncset.done @!p0 $0x0  }
0x54: {  	[sflag:s26] =	ssyncadd.s32 @!p0 $0xFFFFC400  }
0x55: {  	_ =	swait.ge [sflag:s10], $0x78  }
0x56: {  	[sflag:s10] =	ssyncset.done $0x0  }
0x57: {  	[sflag:s10] =	ssyncadd.s32 $0xFFFFFF88  }
0x58: {  	_ =	swait.ge [sflag:s10], $0x78  }
0x59: {  	[sflag:s10] =	ssyncset.done $0x0  }
0x5a: {  	[sflag:s10] =	ssyncadd.s32 $0xFFFFFF88  }
0x5b: {  	[tilespmem:s11], [sflag:$0x8] =	stream.indirect.gather [hbm4b:s5+s2], $0x80, s31, s2, $0xb8;
	[tilespmem:$0x1FA00] =	vst v63  }
0x5c: {  	_ =	swait.ge [sflag:s12], $0x3C00  }
0x5d: {  	[sflag:s12] =	ssyncset.done $0x0  }
0x5e: {  	s0 =	simm.s32 $0x14300;
	s9 =	rddreg [dreg:$0x18];
	[sflag:s12] =	ssyncadd.s32 $0xFFFFC400  }
0x5f: {  	[spmem:s3] =	stream.indirect.scatter.add.f32 [tilespmem:s8], [sflag:$0xA], $0x80, s0, s2, $0xb8;
	[tilespmem:$0x1FA00] =	vst v63  }
0x60: {  	s31 =	rddreg [dreg:$0x17];
	s13 =	sadd.s32 s25, s9;
	s9 =	simm.s32 $0x14100  }
0x61: {  	[tilespmem:s9], [sflag:$0x3] =	stream.linear.gather [hbm4b:s13+s4], $0x78, $0x38;
	[tilespmem:$0x1FA00] =	vst v63  }
0x62: {  	s26 =	simm.s32 @!p0 $0xC;
	s0 =	sadd.s32 s25, s31;
	s13 =	simm.s32 $0x14400  }
0x63: {  	[tilespmem:s13], [sflag:$0x3] =	stream.linear.gather [hbm4b:s0+s4], $0x78, $0x38;
	[tilespmem:$0x1FA00] =	vst v63  }
0x64: {  	_ =	swait.ge @!p0 [sflag:s26], $0x3C00  }
0x65: {  	[sflag:s26] =	ssyncset.done @!p0 $0x0  }
0x66: {  	[sflag:s26] =	ssyncadd.s32 @!p0 $0xFFFFC400  }
0x67: {  	_ =	swait.ge [sflag:s15], $0x78  }
0x68: {  	[sflag:s15] =	ssyncset.done $0x0  }
0x69: {  	[sflag:s15] =	ssyncadd.s32 $0xFFFFFF88  }
0x6a: {  	_ =	swait.ge [sflag:s15], $0x78  }
0x6b: {  	[sflag:s15] =	ssyncset.done $0x0  }
0x6c: {  	[sflag:s15] =	ssyncadd.s32 $0xFFFFFF88  }
0x6d: {  	[tilespmem:s18], [sflag:$0x9] =	stream.indirect.gather [hbm4b:s5+s2], $0x80, s9, s2, $0xb8;
	[tilespmem:$0x1FA00] =	vst v63  }
0x6e: {  	_ =	swait.ge [sflag:s29], $0x3C00  }
0x6f: {  	[sflag:s29] =	ssyncset.done $0x0  }
0x70: {  	s31 =	rddreg [dreg:$0x16];
	[sflag:s29] =	ssyncadd.s32 $0xFFFFC400  }
0x71: {  	[spmem:s3] =	stream.indirect.scatter.add.f32 [tilespmem:s11], [sflag:$0xB], $0x80, s14, s2, $0xb8;
	[tilespmem:$0x1FA00] =	vst v63  }
0x72: {  	s9 =	sadd.s32 s25, s31;
	s31 =	rddreg [dreg:$0x15];
	s14 =	simm.s32 $0x14180  }
0x73: {  	[tilespmem:s14], [sflag:$0x4] =	stream.linear.gather [hbm4b:s9+s4], $0x78, $0x38;
	[tilespmem:$0x1FA00] =	vst v63  }
0x74: {  	s0 =	sadd.s32 s25, s31  }
0x75: {  	[tilespmem:s28], [sflag:$0x4] =	stream.linear.gather [hbm4b:s0+s4], $0x78, $0x38;
	[tilespmem:$0x1FA00] =	vst v63  }
0x76: {  	_ =	swait.ge [sflag:s1], $0x3C00  }
0x77: {  	[sflag:s1] =	ssyncset.done $0x0  }
0x78: {  	[sflag:s1] =	ssyncadd.s32 $0xFFFFC400  }
0x79: {  	_ =	swait.ge [sflag:s30], $0x78  }
0x7a: {  	[sflag:s30] =	ssyncset.done $0x0  }
0x7b: {  	[sflag:s30] =	ssyncadd.s32 $0xFFFFFF88  }
0x7c: {  	_ =	swait.ge [sflag:s30], $0x78  }
0x7d: {  	[sflag:s30] =	ssyncset.done $0x0  }
0x7e: {  	[sflag:s30] =	ssyncadd.s32 $0xFFFFFF88  }
0x7f: {  	[tilespmem:s8], [sflag:$0x7] =	stream.indirect.gather [hbm4b:s5+s2], $0x80, s14, s2, $0xb8;
	[tilespmem:$0x1FA00] =	vst v63  }
0x80: {  	_ =	swait.ge [sflag:s6], $0x3C00  }
0x81: {  	[sflag:s6] =	ssyncset.done $0x0  }
0x82: {  	[sflag:s6] =	ssyncadd.s32 $0xFFFFC400  }
0x83: {  	[spmem:s3] =	stream.indirect.scatter.add.f32 [tilespmem:s18], [sflag:$0xC], $0x80, s13, s2, $0xb8;
	[tilespmem:$0x1FA00] =	vst v63  }
0x84: {  	s13 =	rddreg [dreg:$0x14]  }
0x85: {  	s31 =	rddreg [dreg:$0x13];
	s14 =	sadd.s32 s25, s13  }
0x86: {  	[tilespmem:s7], [sflag:$0x5] =	stream.linear.gather [hbm4b:s14+s4], $0x78, $0x38;
	[tilespmem:$0x1FA00] =	vst v63  }
0x87: {  	s9 =	sadd.s32 s25, s31  }
0x88: {  	[tilespmem:s16], [sflag:$0x5] =	stream.linear.gather [hbm4b:s9+s4], $0x78, $0x38;
	[tilespmem:$0x1FA00] =	vst v63  }
0x89: {  	_ =	swait.ge [sflag:s17], $0x3C00  }
0x8a: {  	[sflag:s17] =	ssyncset.done $0x0  }
0x8b: {  	[sflag:s17] =	ssyncadd.s32 $0xFFFFC400  }
0x8c: {  	_ =	swait.ge [sflag:s19], $0x78  }
0x8d: {  	[sflag:s19] =	ssyncset.done $0x0  }
0x8e: {  	[sflag:s19] =	ssyncadd.s32 $0xFFFFFF88  }
0x8f: {  	_ =	swait.ge [sflag:s19], $0x78  }
0x90: {  	[sflag:s19] =	ssyncset.done $0x0  }
0x91: {  	[sflag:s19] =	ssyncadd.s32 $0xFFFFFF88  }
0x92: {  	[tilespmem:s11], [sflag:$0x8] =	stream.indirect.gather [hbm4b:s5+s2], $0x80, s7, s2, $0xb8;
	[tilespmem:$0x1FA00] =	vst v63  }
0x93: {  	_ =	swait.ge [sflag:s12], $0x3C00  }
0x94: {  	[sflag:s12] =	ssyncset.done $0x0  }
0x95: {  	s13 =	rddreg [dreg:$0x12];
	[sflag:s12] =	ssyncadd.s32 $0xFFFFC400  }
0x96: {  	[spmem:s3] =	stream.indirect.scatter.add.f32 [tilespmem:s8], [sflag:$0xA], $0x80, s28, s2, $0xb8;
	[tilespmem:$0x1FA00] =	vst v63  }
0x97: {  	s26 =	rddreg [dreg:$0x11];
	s14 =	sadd.s32 s25, s13  }
0x98: {  	[tilespmem:s20], [sflag:$0x6] =	stream.linear.gather [hbm4b:s14+s4], $0x78, $0x38;
	[tilespmem:$0x1FA00] =	vst v63  }
0x99: {  	s31 =	sadd.s32 s25, s26  }
0x9a: {  	[tilespmem:s21], [sflag:$0x6] =	stream.linear.gather [hbm4b:s31+s4], $0x78, $0x38;
	[tilespmem:$0x1FA00] =	vst v63  }
0x9b: {  	_ =	swait.ge [sflag:s22], $0x3C00  }
0x9c: {  	[sflag:s22] =	ssyncset.done $0x0  }
0x9d: {  	[sflag:s22] =	ssyncadd.s32 $0xFFFFC400  }
0x9e: {  	_ =	swait.ge [sflag:s23], $0x78  }
0x9f: {  	[sflag:s23] =	ssyncset.done $0x0  }
0xa0: {  	[sflag:s23] =	ssyncadd.s32 $0xFFFFFF88  }
0xa1: {  	_ =	swait.ge [sflag:s23], $0x78  }
0xa2: {  	[sflag:s23] =	ssyncset.done $0x0  }
0xa3: {  	[sflag:s23] =	ssyncadd.s32 $0xFFFFFF88  }
0xa4: {  	[tilespmem:s18], [sflag:$0x9] =	stream.indirect.gather [hbm4b:s5+s2], $0x80, s20, s2, $0xb8;
	[tilespmem:$0x1FA00] =	vst v63  }
0xa5: {  	_ =	swait.ge [sflag:s29], $0x3C00  }
0xa6: {  	p0 =	seq.s32 s25, $0x492;
	[sflag:s29] =	ssyncset.done $0x0  }
0xa7: {  	s26 =	simm.s32 @p0 $0xA;
	[sflag:s29] =	ssyncadd.s32 $0xFFFFC400  }
0xa8: {  	[spmem:s3] =	stream.indirect.scatter.add.f32 [tilespmem:s11], [sflag:$0xB], $0x80, s16, s2, $0xb8;
	[tilespmem:$0x1FA00] =	vst v63  }
0xa9: {  	_ =	swait.ge @p0 [sflag:s26], $0x3C00  }
0xaa: {  	[sflag:s26] =	ssyncset.done @p0 $0x0  }
0xab: {  	s0 =	rddreg [dreg:$0x4];
	[sflag:s26] =	ssyncadd.s32 @p0 $0xFFFFC400;
	s26 =	sshrl.u32 @!p0 s24, $0x3  }
0xac: {  	s13 =	simm.s32 @!p0 $0x14000;
	s31 =	sadd.s32 @!p0 s0, s26;
	s0 =	simm.s32 @!p0 $0x0  }
0xad: {  	[tilespmem:s13], [sflag:$0x1] =	stream.linear.gather @!p0 [hbm4b:s31+s0], $0x78, $0x38;
	[tilespmem:$0x1FA00] =	vst v63  }
0xae: {  	s31 =	rddreg [dreg:$0x5]  }
0xaf: {  	s26 =	sadd.s32 @!p0 s31, s26;
	s31 =	simm.s32 @!p0 $0x14300  }
0xb0: {  	[tilespmem:s31], [sflag:$0x1] =	stream.linear.gather @!p0 [hbm4b:s26+s0], $0x78, $0x38;
	[tilespmem:$0x1FA00] =	vst v63  }
0xb1: {  	s0 =	simm.s32 @!p0 $0xA  }
0xb2: {  	_ =	swait.ge @!p0 [sflag:s0], $0x3C00  }
0xb3: {  	[sflag:s0] =	ssyncset.done @!p0 $0x0  }
0xb4: {  	[sflag:s0] =	ssyncadd.s32 @!p0 $0xFFFFC400;
	s0 =	simm.s32 @!p0 $0x1  }
0xb5: {  	_ =	swait.ge @!p0 [sflag:s0], $0x78  }
0xb6: {  	[sflag:s0] =	ssyncset.done @!p0 $0x0  }
0xb7: {  	[sflag:s0] =	ssyncadd.s32 @!p0 $0xFFFFFF88  }
0xb8: {  	_ =	swait.ge @!p0 [sflag:s0], $0x78  }
0xb9: {  	[sflag:s0] =	ssyncset.done @!p0 $0x0  }
0xba: {  	s26 =	simm.s32 @!p0 $0x14600;
	[sflag:s0] =	ssyncadd.s32 @!p0 $0xFFFFFF88;
	s0 =	simm.s32 @!p0 $0x78  }
0xbb: {  	[tilespmem:s26], [sflag:$0x7] =	stream.indirect.gather @!p0 [hbm4b:s5+s0], $0x80, s13, s0, $0xb8;
	[tilespmem:$0x1FA00] =	vst v63  }
.Ltmp2:
0xbc: {  	_ = 	snop;
	(pc) =	sbr.rel @p0 .LBB2_4-.Ltmp2, $4  }
0xbd: {  	_ =	swait.ge [sflag:s6], $0x3C00  }
0xbe: {  	[sflag:s6] =	ssyncset.done $0x0  }
0xbf: {  	s9 =	simm.s32 $0x14380;
	s14 =	simm.s32 $0x14080;
	[sflag:s6] =	ssyncadd.s32 $0xFFFFC400  }
0xc0: {  	[spmem:s3] =	stream.indirect.scatter.add.f32 [tilespmem:s18], [sflag:$0xC], $0x80, s21, s2, $0xb8;
	[tilespmem:$0x1FA00] =	vst v63  }
0xc1: {  	s0 =	rddreg [dreg:$0xf]  }
.Ltmp3:
0xc2: {  	s26 =	rddreg [dreg:$0xe];
	(pc) =	sbr.rel .LBB2_2-.Ltmp3, $4  }
0xc3: {  	s24 =	sadd.s32 $0x2D0, s24;
	s31 =	simm.s32 $0x14080;
	s0 =	sadd.s32 s25, s0  }
0xc4: {  	[tilespmem:s14], [sflag:$0x2] =	stream.linear.gather [hbm4b:s0+s4], $0x78, $0x38;
	[tilespmem:$0x1FA00] =	vst v63  }
0xc5: {  	s0 =	sadd.s32 s25, s26;
	s25 =	sadd.s32 $0x5A, s25;
	s14 =	simm.s32 $0x14380  }
0xc6: {  	[tilespmem:s9], [sflag:$0x2] =	stream.linear.gather [hbm4b:s0+s4], $0x78, $0x38;
	[tilespmem:$0x1FA00] =	vst v63  }
.LBB2_5:
0xc7: {  	_ =	sfence.sel $0x180000  }
0xc8: {  	[bflag:$0x0] =	sbarrier.arrive $0xFFFF  }
0xc9: {  	_ =	strace $0x9000004D  }
0xca: {  	s0 =	stileid.u32;
	[bflag:$0x2] =	sbarrier.arrive $0xFFFF  }
0xcb: {  	p0 =	sne.s32 s0, $0x0;
	s0 =	rddreg [dreg:$0x3]  }
0xcc: {  	s0 =	sadd.s32 @!p0 $0x100000, s0  }
0xcd: {  	[sflag:s0] =	ssyncadd.tile.s32 @!p0 $0x1;
	_ =	shalt  }
.Lfunc_end2:
_tile_overlayer_lowered:
.L_overlay_start_2:
0xce: {  	(tag) =	ssettag $0x2  }
0xcf: {  	s0 =	rddreg [dreg:$0x0];
	s2 =	stileid.u32  }
0xd0: {  	s1 =	rddreg [dreg:$0x1];
	p0 =	sne.s32 s2, $0x0  }
0xd1: {  	s3 =	rddreg [dreg:$0x2];
	[bflag:$0x3] =	sbarrier.arrive $0xFFFF;
	s2 =	simm.s32 @!p0 $0x1C0D  }
0xd2: {  	[timem:s3], [sflag:s2] =	dma.local @!p0 [hbm:s0], s1  }
0xd3: {  	s0 =	simm.s32 @!p0 $0xD  }
0xd4: {  	_ =	swait.ge @!p0 [sflag:s0], s1  }
0xd5: {  	s1 =	ssub.s32 @!p0 $0x0, s1;
	[sflag:s0] =	ssyncset.done @!p0 $0x0  }
0xd6: {  	[sflag:s0] =	ssyncadd.s32 @!p0 s1  }
0xd7: {  	[bflag:$0x3] =	sbarrier.arrive $0xFFFF  }
0xd8: {  	_ =	shalt  }

// kernel: kernel.8.cloned.1.call-start
scs
__scs_entry_jumppad:
0x0: {  	(pc) =	sbr.rel $0x88, $3  }
0x1: {  	(tag) =	ssettag $0x0;
	lr =	simm.s32 $0x1  }
0x2: {  	[smem:$0x3F98] =	sst lr;
	_ =	strace $0xD0000000  }
0x3: {  	_ = 	snop  }
0x4: {  	_ = 	snop  }
0x5: {  	_ = 	snop  }
0x6: {  	_ = 	snop  }
0x7: {  	_ = 	snop  }
__scs_overlays_trampoline_lowered:
0x8: {  	[smem:$0x3FA7] =	sst s0  }
0x9: {  	[smem:$0x3FA8] =	sst s1  }
0xa: {  	[smem:$0x3FA9] =	sst s2  }
0xb: {  	[smem:$0x3FAA] =	sst s3  }
0xc: {  	[smem:$0x3FAB] =	sst s4  }
0xd: {  	[smem:$0x3FAC] =	sst s5  }
0xe: {  	[smem:$0x3FAD] =	sst s6  }
0xf: {  	[smem:$0x3FAE] =	sst s7  }
0x10: {  	[smem:$0x3FAF] =	sst s8  }
0x11: {  	[smem:$0x3FB0] =	sst s9;
	s0 =	simm.s32 @!p0 $0x0  }
0x12: {  	s1 =	sld [smem:$0x3F96];
	s0 =	simm.s32 @p0 $0x1  }
0x13: {  	[smem:$0x3FB1] =	sst s0;
	s0 =	simm.s32 @!p1 $0x0  }
0x14: {  	s2 =	sld [smem:$0x3F95];
	s0 =	simm.s32 @p1 $0x1  }
0x15: {  	[smem:$0x3FB2] =	sst s0;
	s0 =	simm.s32 @!p2 $0x0  }
0x16: {  	s3 =	sld [smem:$0x3FDB];
	s0 =	simm.s32 @p2 $0x1  }
0x17: {  	s4 =	simm.s32 $0x1BF5;
	[smem:$0x3FB4] =	sst s0  }
0x18: {  	s0 =	sld [smem:$0x3F97];
	_ =	swait.ge [sflag:s4], $0x0  }
0x19: {  	s7 =	sld [smem:$0x3F98]  }
0x1a: {  	s8 =	sadd.s32 $0xFFFFE003, lr  }
0x1b: {  	s9 =	sadd.s32 $0xFFFFFEF7, lr;
	s5 =	simm.s32 $0xFFFFFFFF;
	p2 =	slt.u32 s8, $0xFFFFF086  }
0x1c: {  	p1 =	slt.u32 s9, $0xF7A;
	s5 =	simm.s32 @!p2 $0x0  }
0x1d: {  	s5 =	simm.s32 @p1 $0x1;
	p0 =	seq.s32 s7, s2  }
0x1e: {  	s7 =	smul.u32 @!p0 $0xF7A, s2;
	p2 =	seq.s32 @!p0 s5, $0x0  }
0x1f: {  	s9 =	smul.u32 $0xF7A, s1;
	s8 =	simm.s32 @!p0 $0x1BF5;
	p2 =	por !p2, p0  }
0x20: {  	[sflag:s8] =	ssyncset.s32 @!p0 $0xFFFFF086;
	s6 =	sadd.s32 @!p0 s3, s7;
	s7 =	simm.s32 @!p0 $0x108  }
0x21: {  	s3 =	sadd.s32 s3, s9;
	s6 =	sadd.s32 @!p0 $0x88, s6;
	s7 =	simm.s32 @p2 $0x1082  }
0x22: {  	[simem:s7], [sflag:s8] =	dma.local @!p0 [hbm:s6], $0xF7A  }
0x23: {  	s9 =	sor.u32 $0xD0000000, s2;
	s6 =	simm.s32 $0x108;
	_ =	swait.ge @!p0 [sflag:s8], $0x0  }
0x24: {  	s3 =	sadd.s32 $0x88, s3;
	s6 =	simm.s32 @!p1 $0x1082;
	[sflag:s4] =	ssyncset.s32 $0xFFFFF086  }
0x25: {  	[simem:s6], [sflag:s4] =	dma.local [hbm:s3], $0xF7A  }
0x26: {  	[smem:$0x3F98] =	sst s1;
	(tag) =	ssettag s2;
	_ =	strace s9  }
0x27: {  	s1 =	sld [smem:$0x3FA8]  }
0x28: {  	s2 =	sld [smem:$0x3FA9]  }
0x29: {  	s4 =	sld [smem:$0x3FAB]  }
0x2a: {  	p0 =	seq.s32 s5, $0x0;
	s5 =	sld [smem:$0x3FAC]  }
0x2b: {  	s6 =	sld [smem:$0x3FAD]  }
0x2c: {  	s7 =	sld [smem:$0x3FAE]  }
0x2d: {  	s3 =	simm.s32 $0x108;
	s8 =	sld [smem:$0x3FAF]  }
0x2e: {  	s3 =	simm.s32 @!p0 $0x1082;
	s9 =	sld [smem:$0x3FB0]  }
0x2f: {  	lr =	sadd.s32 s0, s3;
	s0 =	sld [smem:$0x3FA7]  }
0x30: {  	s3 =	sld [smem:$0x3FAA]  }
0x31: {  	[smem:$0x3FB3] =	sst s10  }
0x32: {  	s10 =	sld [smem:$0x3FB1];
	_ =	sdelay $0x3  }
0x33: {  	p0 =	seq.s32 s10, $0x1;
	s10 =	sld [smem:$0x3FB3];
	_ =	sdelay $0x3  }
0x34: {  	[smem:$0x3FB3] =	sst s10  }
0x35: {  	s10 =	sld [smem:$0x3FB2];
	_ =	sdelay $0x3  }
0x36: {  	p1 =	seq.s32 s10, $0x1;
	s10 =	sld [smem:$0x3FB3];
	_ =	sdelay $0x3  }
0x37: {  	[smem:$0x3FB3] =	sst s10  }
0x38: {  	s10 =	sld [smem:$0x3FB4]  }
0x39: {  	_ = 	snop;
	(pc) =	sbr.ind lr, $3  }
0x3a: {  	_ = 	snop  }
0x3b: {  	_ = 	snop  }
0x3c: {  	p2 =	seq.s32 s10, $0x1;
	s10 =	sld [smem:$0x3FB3]  }
0x3d: {  	_ =	shalt  }
0x3e: {  	_ =	shalt  }
0x3f: {  	_ =	shalt  }
0x40: {  	_ =	shalt  }
0x41: {  	_ =	shalt  }
0x42: {  	_ =	shalt  }
0x43: {  	_ =	shalt  }
0x44: {  	_ =	shalt  }
0x45: {  	_ =	shalt  }
0x46: {  	_ =	shalt  }
0x47: {  	_ =	shalt  }
0x48: {  	_ =	shalt  }
0x49: {  	_ =	shalt  }
0x4a: {  	_ =	shalt  }
0x4b: {  	_ =	shalt  }
0x4c: {  	_ =	shalt  }
0x4d: {  	_ =	shalt  }
0x4e: {  	_ =	shalt  }
0x4f: {  	_ =	shalt  }
0x50: {  	_ =	shalt  }
0x51: {  	_ =	shalt  }
0x52: {  	_ =	shalt  }
0x53: {  	_ =	shalt  }
0x54: {  	_ =	shalt  }
0x55: {  	_ =	shalt  }
0x56: {  	_ =	shalt  }
0x57: {  	_ =	shalt  }
0x58: {  	_ =	shalt  }
0x59: {  	_ =	shalt  }
0x5a: {  	_ =	shalt  }
0x5b: {  	_ =	shalt  }
0x5c: {  	_ =	shalt  }
0x5d: {  	_ =	shalt  }
0x5e: {  	_ =	shalt  }
0x5f: {  	_ =	shalt  }
0x60: {  	_ =	shalt  }
0x61: {  	_ =	shalt  }
0x62: {  	_ =	shalt  }
0x63: {  	_ =	shalt  }
0x64: {  	_ =	shalt  }
0x65: {  	_ =	shalt  }
0x66: {  	_ =	shalt  }
0x67: {  	_ =	shalt  }
0x68: {  	_ =	shalt  }
0x69: {  	_ =	shalt  }
0x6a: {  	_ =	shalt  }
0x6b: {  	_ =	shalt  }
0x6c: {  	_ =	shalt  }
0x6d: {  	_ =	shalt  }
0x6e: {  	_ =	shalt  }
0x6f: {  	_ =	shalt  }
0x70: {  	_ =	shalt  }
0x71: {  	_ =	shalt  }
0x72: {  	_ =	shalt  }
0x73: {  	_ =	shalt  }
0x74: {  	_ =	shalt  }
0x75: {  	_ =	shalt  }
0x76: {  	_ =	shalt  }
0x77: {  	_ =	shalt  }
0x78: {  	_ =	shalt  }
0x79: {  	_ =	shalt  }
0x7a: {  	_ =	shalt  }
0x7b: {  	_ =	shalt  }
0x7c: {  	_ =	shalt  }
0x7d: {  	_ =	shalt  }
0x7e: {  	_ =	shalt  }
0x7f: {  	_ =	shalt  }
0x80: {  	_ =	shalt  }
0x81: {  	_ =	shalt  }
0x82: {  	_ =	shalt  }
0x83: {  	_ =	shalt  }
0x84: {  	_ =	shalt  }
0x85: {  	_ =	shalt  }
0x86: {  	_ =	shalt  }
0x87: {  	_ =	shalt  }
.Lfunc_end0:
.L_simem_size_0:
called_computation_lowered:
.L_overlay_start_0:
0x88: {  	s2 =	sld [smem:$0x3FD9]  }
0x89: {  	s3 =	sld [smem:$0x3FFE];
	_ =	sdelay $0x1  }
0x8a: {  	s1 =	srdreg.scid  }
0x8b: {  	s0 =	sand.u32 $0x1, s1  }
0x8c: {  	s14 =	sshll.u32 s0, $0xA;
	s2 =	sadd.s32 s3, s2  }
0x8d: {  	s2 =	sadd.s32 s2, s14  }
0x8e: {  	[smem:$0x3FBF] =	sst s2  }
0x8f: {  	_ = 	snop  }
0x90: {  	s2 =	sld [smem:$0x3FD0];
	_ =	sdelay $0x2  }
0x91: {  	s15 =	simm.s32 $0xA;
	s4 =	simm.s32 $0x10  }
0x92: {  	[smem:s4], [sflag:s15] =	dma.local [hbm:s2], $0x1  }
0x93: {  	_ =	swait.eq [sflag:s15], $0x1  }
0x94: {  	[sflag:s15] =	ssyncset.done $0x0  }
0x95: {  	s16 =	sld [smem:$0x10];
	[sflag:s15] =	ssyncadd.s32 $0xFFFFFFFF  }
0x96: {  	s17 =	sld [smem:$0x11];
	(tm) =	ssettm $0x1  }
0x97: {  	s18 =	sld [smem:$0x3FFB];
	_ =	sdelay $0x3  }
0x98: {  	_ =	strace s18  }
0x99: {  	s4 =	sld [smem:$0x3FFC];
	_ =	sdelay $0x3  }
0x9a: {  	_ =	strace s4  }
0x9b: {  	s4 =	sld [smem:$0x3FFD];
	_ =	sdelay $0x3  }
0x9c: {  	_ =	strace s4  }
0x9d: {  	_ =	strace $0x8FFFFFFF  }
0x9e: {  	s19 =	sld [smem:$0x3FDB];
	_ =	sdelay $0x1  }
0x9f: {  	s5 =	simm.s32 $_scs_section_size  }
0xa0: {  	s6 =	simm.s32 $_size__tile_overlayer_lowered;
	s7 =	simm.s32 $_tile_overlayer_lowered  }
0xa1: {  	s22 =	simm.s32 $0x1BFF;
	s21 =	sshll.u32 s7, $0x1;
	s4 =	sadd.s32 s5, s19  }
0xa2: {  	s8 =	simm.s32 $0x0;
	s20 =	sshll.u32 s6, $0x1;
	s6 =	sadd.s32 s21, s4  }
0xa3: {  	[timem:s8], [sflag:s22] =	dma.local [hbm:s6], s20  }
0xa4: {  	_ =	swait.ge [sflag:s22], s20  }
0xa5: {  	s5 =	ssub.s32 $0x0, s20;
	[sflag:s22] =	ssyncset.done $0x0  }
0xa6: {  	[sflag:s22] =	ssyncadd.s32 s5;
	_ =	sdelay $0x1  }
0xa7: {  	s23 =	simm.s32 $0x1B8B  }
0xa8: {  	_ =	swait.ge [sflag:s23], $0x1  }
0xa9: {  	[sflag:s23] =	ssyncset.done $0x0  }
0xaa: {  	s25 =	simm.s32 $0x1B8E;
	s24 =	sld [smem:$0x3FFE];
	[sflag:s23] =	ssyncadd.s32 $0xFFFFFFFF  }
0xab: {  	s26 =	simm.s32 $execute0_lowered;
	[smem:$0x3FD2] =	sst s25  }
0xac: {  	s6 =	sshll.u32 s26, $0x1;
	_ =	strace $0x80000046;
	[dreg:$0x1] =	wrdreg $0xFFFFFFFF  }
0xad: {  	s28 =	simm.s32 $_size_execute0_lowered;
	s4 =	sadd.s32 s4, s6;
	[dreg:$0x0] =	wrdreg $0x0  }
0xae: {  	s6 =	sshll.u32 s28, $0x1;
	[dreg:$0x2] =	wrdreg s4  }
0xaf: {  	[dreg:$0x3] =	wrdreg s6  }
0xb0: {  	[dreg:$0x4] =	wrdreg $0xC0  }
0xb1: {  	_ =	task [dreg:s8], $0x5FFFF  }
0xb2: {  	[dreg:$0x1] =	wrdreg $0xFFFFFFFF  }
0xb3: {  	[dreg:$0x0] =	wrdreg $0x60  }
0xb4: {  	[dreg:$0x2] =	wrdreg s17  }
0xb5: {  	[dreg:$0x3] =	wrdreg s16  }
0xb6: {  	[dreg:$0x4] =	wrdreg s24  }
0xb7: {  	[dreg:$0x5] =	wrdreg $0x0  }
0xb8: {  	[dreg:$0x6] =	wrdreg $0x9  }
0xb9: {  	_ =	task.clear_ibuf [dreg:s8], $0x7FFFF;
	_ =	strace $0x90000046  }
0xba: {  	s29 =	simm.s32 $0x9;
	_ =	strace $0x80000048  }
0xbb: {  	_ =	swait.ge [sflag:s29], $0x1  }
0xbc: {  	[sflag:s29] =	ssyncadd.s32 $0xFFFFFFFF  }
0xbd: {  	_ =	strace $0x90000048  }
0xbe: {  	_ =	sfence  }
0xbf: {  	s30 =	sld [smem:$0x0];
	_ =	sdelay $0x2  }
0xc0: {  	s31 =	sshll.u32 s1, $0xD;
	s1 =	sshrl.u32 s1, $0x2  }
0xc1: {  	s3 =	sand.u32 $0x4000, s31;
	s1 =	sadd.s32 s1, s30  }
0xc2: {  	s0 =	sor.u32 s3, s0;
	s1 =	sshll.u32 s1, $0x11  }
0xc3: {  	s0 =	sor.u32 s1, s0  }
0xc4: {  	s0 =	sadd.s32 $0x8F2B, s0  }
0xc5: {  	[sflag:s0] =	ssyncadd.remote.s32 $0x1  }
0xc6: {  	_ =	sfence.sel $0xFFFF  }
0xc7: {  	[dreg:$0x0] =	wrdreg $0xFFFFFFFF;
	(pc) =	sbr.abs _section_cstart, $3  }
0xc8: {  	[dreg:$0x1] =	wrdreg $0xFFFFFFFF  }
0xc9: {  	_ =	task.clear_ibuf [dreg:s8], $0x2FFFF;
	_ =	strace $0x9FFFFFFF  }
0xca: {  	(tm) =	ssettm $0x7FFFFFFF  }
0xcb: {  	_ =	shalt  }
tec
execute0_lowered:
.L_overlay_start_1:
0x0: {  	(tag) =	ssettag $0x1  }
0x1: {  	s5 =	rddreg [dreg:$0x0]  }
0x2: {  	s1 =	rddreg [dreg:$0x1]  }
0x3: {  	s6 =	rddreg [dreg:$0x2];
	s0 =	srdreg.scid  }
0x4: {  	s2 =	rddreg [dreg:$0x3];
	s8 =	stileid.u32  }
0x5: {  	s3 =	simm.s32 $0x0;
	s4 =	sand.u32 $0x1, s0;
	s0 =	rddreg [dreg:$0x4]  }
0x6: {  	s12 =	simm.s32 $0x78;
	s13 =	simm.s32 $0x0;
	[smem:$0x7FF] =	sst s3  }
0x7: {  	p0 =	sne.s32 s8, $0x0;
	s7 =	sshll.u32 s4, $0x4;
	s9 =	smul.u32 $0x500, s4  }
0x8: {  	s10 =	ssub.s32 $0x2, s4;
	_ =	strace $0x80000047;
	s4 =	sadd.s32 $0x16600, s6  }
0x9: {  	s7 =	sor.u32 s8, s7;
	s11 =	sshrl.u32 s10, $0x1;
	s8 =	sshrl.u32 @!p0 s2, $0x3  }
0xa: {  	s7 =	smul.u32 $0x580, s7;
	s6 =	sadd.s32 s9, s6;
	s31 =	ssub.s32 s10, s11  }
0xb: {  	s9 =	simm.s32 $0x280;
	s10 =	simm.s32 $0x1;
	s11 =	simm.s32 $0x2E80  }
0xc: {  	s6 =	sadd.s32 $0x16C00, s6;
	s5 =	sadd.s32 s5, s7;
	s7 =	smax.u32 s31, $0x1  }
.LBB2_1:
0xd: {  	s14 =	simm.s32 @!p0 $0x1C01  }
0xe: {  	[spmem:s8], [sflag:s14] =	dma.local @!p0 [hbm:s4], $0x500  }
0xf: {  	s14 =	simm.s32 @!p0 $0x1  }
0x10: {  	_ =	swait.ge @!p0 [sflag:s14], $0x500  }
0x11: {  	[sflag:s14] =	ssyncset.done @!p0 $0x0  }
0x12: {  	[sflag:s14] =	ssyncadd.s32 @!p0 $0xFFFFFB00  }
0x13: {  	[tilespmem:s9], [sflag:$0x1] =	stream.linear.gather [hbm4b:s5+s3], $0x2A00, $0x38;
	[tilespmem:$0x2F00] =	vst v63  }
0x14: {  	_ =	swait.ge [sflag:s10], $0x2A00  }
0x15: {  	[sflag:s10] =	ssyncset.done $0x0  }
0x16: {  	[sflag:s10] =	ssyncadd.s32 $0xFFFFD600  }
0x17: {  	[tilespmem:s11], [sflag:$0x1] =	stream.linear.gather [hbm4b:s1+s3], $0x80, $0x38;
	[tilespmem:$0x2F00] =	vst v63  }
0x18: {  	_ =	swait.ge [sflag:s10], $0x80  }
0x19: {  	[sflag:s10] =	ssyncset.done $0x0  }
0x1a: {  	[sflag:s10] =	ssyncadd.s32 $0xFFFFFF80  }
0x1b: {  	s31 =	simm.s32 $0x280;
	[bflag:$0x0] =	sbarrier.arrive $0xFFFF  }
0x1c: {  	[spmem:s2] =	stream.indirect.scatter.add.f32 [tilespmem:s11], [sflag:$0x1], $0x1, s31, s12, $0xb8;
	[tilespmem:$0x2F00] =	vst v63  }
0x1d: {  	s14 =	simm.s32 $0x200;
	_ =	swait.ge [sflag:s10], $0x78  }
.LBB2_2:
0x1e: {  	s15 =	sshra.s32 s14, $0x2;
	[sflag:s10] =	ssyncset.done $0x0;
	p1 =	sne.s32 s14, $0xA600  }
.Ltmp0:
0x1f: {  	s15 =	sadd.s32 $0x280, s15;
	[sflag:s10] =	ssyncadd.s32 $0xFFFFFF88;
	(pc) =	sbr.rel @p1 .LBB2_2-.Ltmp0, $3  }
0x20: {  	[spmem:s2] =	stream.indirect.scatter.add.f32 [tilespmem:s11], [sflag:$0x1], $0x1, s15, s12, $0xb8;
	[tilespmem:$0x2F00] =	vst v63  }
0x21: {  	s14 =	sadd.s32 $0x200, s14;
	_ =	sdelay $0x1  }
0x22: {  	_ =	swait.ge [sflag:s10], $0x78  }
0x23: {  	[sflag:s10] =	ssyncset.done $0x0  }
0x24: {  	s13 =	sadd.s32 $0x1, s13;
	[sflag:s10] =	ssyncadd.s32 $0xFFFFFF88  }
0x25: {  	s14 =	simm.s32 @!p0 $0x1C01;
	p1 =	sne.s32 s13, s7;
	[bflag:$0x0] =	sbarrier.arrive $0xFFFF  }
0x26: {  	[hbm:s6], [sflag:s14] =	dma.local @!p0 [spmem:s8], $0x500  }
.Ltmp1:
0x27: {  	_ = 	snop;
	(pc) =	sbr.rel @p1 .LBB2_1-.Ltmp1, $4  }
0x28: {  	s14 =	simm.s32 @!p0 $0x1  }
0x29: {  	_ =	swait.ge @!p0 [sflag:s14], $0x500  }
0x2a: {  	[sflag:s14] =	ssyncset.done @!p0 $0x0  }
0x2b: {  	[sflag:s14] =	ssyncadd.s32 @!p0 $0xFFFFFB00  }
0x2c: {  	_ =	sfence.sel $0x180000  }
0x2d: {  	[bflag:$0x0] =	sbarrier.arrive $0xFFFF  }
0x2e: {  	_ =	strace $0x90000047  }
0x2f: {  	s0 =	sadd.s32 @!p0 $0x100000, s0;
	[bflag:$0x2] =	sbarrier.arrive $0xFFFF  }
0x30: {  	[sflag:s0] =	ssyncadd.tile.s32 @!p0 $0x1;
	_ =	shalt  }
.Lfunc_end2:
_tile_overlayer_lowered:
.L_overlay_start_2:
0x31: {  	(tag) =	ssettag $0x2  }
0x32: {  	s0 =	rddreg [dreg:$0x0];
	s2 =	stileid.u32  }
0x33: {  	s1 =	rddreg [dreg:$0x1];
	p0 =	sne.s32 s2, $0x0  }
0x34: {  	s3 =	rddreg [dreg:$0x2];
	[bflag:$0x3] =	sbarrier.arrive $0xFFFF;
	s2 =	simm.s32 @!p0 $0x1C01  }
0x35: {  	[timem:s3], [sflag:s2] =	dma.local @!p0 [hbm:s0], s1  }
0x36: {  	s0 =	simm.s32 @!p0 $0x1  }
0x37: {  	_ =	swait.ge @!p0 [sflag:s0], s1  }
0x38: {  	s1 =	ssub.s32 @!p0 $0x0, s1;
	[sflag:s0] =	ssyncset.done @!p0 $0x0  }
0x39: {  	[sflag:s0] =	ssyncadd.s32 @!p0 s1  }
0x3a: {  	[bflag:$0x3] =	sbarrier.arrive $0xFFFF  }
0x3b: {  	_ =	shalt  }

</sc_bundles>
